<compile_context>
chip_gen: v7x
topology: tpu7x:2x2x1
jax: 0.10.2.dev20260603
libtpu: 0.0.44.dev20260713+nightly
codegen_flags: <defaults>
</compile_context>

<pallas_src>
import functools

import jax
import jax.numpy as jnp
from jax import lax
from jax.experimental import pallas as pl
from jax.experimental.pallas import tpu as pltpu
from jax.experimental.pallas import tpu_sc as plsc

D = 128



def _tc_body(tok_ref, dia_ref, w_ref, b_ref, table_ref, dial_ref):
    w = w_ref[...]
    table_ref[...] = lax.dot_general(
        tok_ref[...], w[:, :D], (((1,), (1,)), ((), ())),
        preferred_element_type=jnp.float32)

    @pl.when(pl.program_id(0) == 0)
    def _():
        dial_ref[...] = lax.dot_general(
            dia_ref[...], w[:, D:], (((1,), (1,)), ((), ())),
            preferred_element_type=jnp.float32) + b_ref[...]


def _project(token_emb, dialect_emb, W, bias):
    V = token_emb.shape[0]
    N = dialect_emb.shape[0]
    BLK = 5000
    assert V % BLK == 0
    return pl.pallas_call(
        _tc_body,
        grid=(V // BLK,),
        in_specs=[
            pl.BlockSpec((BLK, D), lambda i: (i, 0)),
            pl.BlockSpec((N, D), lambda i: (0, 0)),
            pl.BlockSpec((D, 2 * D), lambda i: (0, 0)),
            pl.BlockSpec((1, D), lambda i: (0, 0)),
        ],
        out_specs=[
            pl.BlockSpec((BLK, D), lambda i: (i, 0)),
            pl.BlockSpec((N, D), lambda i: (0, 0)),
        ],
        out_shape=[
            jax.ShapeDtypeStruct((V, D), jnp.float32),
            jax.ShapeDtypeStruct((N, D), jnp.float32),
        ],
    )(token_emb, dialect_emb, W, bias.reshape(1, D))



def _make_sc_kernel(B, S, NC, NS):
    NW = NC * NS
    assert B % NW == 0
    BPW = B // NW
    HALF = S // 2
    NG = 2 * BPW
    assert S % 2 == 0 and HALF <= 128 and BPW % 2 == 0

    mesh = plsc.VectorSubcoreMesh(core_axis_name="c", subcore_axis_name="s",
                                  num_cores=NC, num_subcores=NS)

    @functools.partial(
        pl.kernel,
        out_type=jax.ShapeDtypeStruct((B, S, D), jnp.float32),
        mesh=mesh,
        scratch_types=[
            pltpu.VMEM((BPW, 2, HALF), jnp.int32),
            pltpu.VMEM((BPW,), jnp.int32),
            pltpu.VMEM((4, HALF, D), jnp.float32),
            pltpu.VMEM((2, S, D), jnp.float32),
            pltpu.VMEM((BPW, D), jnp.float32),
            pltpu.SemaphoreType.DMA,
            pltpu.SemaphoreType.DMA,
            pltpu.SemaphoreType.DMA,
            pltpu.SemaphoreType.DMA,
            pltpu.SemaphoreType.DMA,
            pltpu.SemaphoreType.DMA,
        ],
    )
    def sc_kernel(ids_hbm, didx_hbm, table_hbm, dial_hbm, out_hbm,
                  tidx_all, didx_v, rows4, obuf2, dial_v,
                  gsem0, gsem1, gsem2, gsem3, ssem0, ssem1):
        wid = lax.axis_index("s") * NC + lax.axis_index("c")
        base = wid * BPW
        gsem = (gsem0, gsem1, gsem2, gsem3)
        ssem = (ssem0, ssem1)

        pltpu.sync_copy(ids_hbm.at[pl.ds(base, BPW)], tidx_all)
        pltpu.sync_copy(didx_hbm.at[pl.ds(base, BPW)], didx_v)
        pltpu.async_copy(dial_hbm.at[didx_v], dial_v, gsem0).wait()

        def start_gather(b, h, k):
            pltpu.async_copy(table_hbm.at[tidx_all.at[b, h]],
                             rows4.at[k], gsem[k])

        def wait_gather(b, h, k):
            pltpu.make_async_copy(table_hbm.at[tidx_all.at[b, h]],
                                  rows4.at[k], gsem[k]).wait()

        def start_store(b, o):
            pltpu.async_copy(obuf2.at[o], out_hbm.at[base + b], ssem[o])

        def wait_store(o):
            pltpu.make_async_copy(obuf2.at[o], out_hbm.at[base], ssem[o]).wait()

        def process_half(b, h, k, o):
            src = rows4.at[k]
            dst = obuf2.at[o]
            dvs = [dial_v[b, pl.ds(c * 16, 16)] for c in range(D // 16)]

            def body_r(rr, carry_r):
                r = h * HALF + rr
                for c in range(D // 16):
                    dst[r, pl.ds(c * 16, 16)] = (
                        src[rr, pl.ds(c * 16, 16)] + dvs[c])
                return carry_r

            lax.fori_loop(0, HALF, body_r, 0, unroll=False)

        start_gather(0, 0, 0)
        start_gather(0, 1, 1)

        NJ = NG // 4

        def body(j2, carry):
            for k in range(4):
                b = 2 * j2 + k // 2
                h = k % 2
                o = (k // 2) % 2
                wait_gather(b, h, k)
                b2 = 2 * j2 + (k + 2) // 2
                k2 = (k + 2) % 4
                if k < 2:
                    start_gather(b2, h, k2)
                else:
                    @pl.when(j2 < NJ - 1)
                    def _():
                        start_gather(b2, h, k2)
                if h == 0:
                    @pl.when(j2 >= 1)
                    def _():
                        wait_store(o)
                process_half(b, h, k, o)
                if h == 1:
                    start_store(b, o)
            return carry

        lax.fori_loop(0, NJ, body, 0, unroll=False)
        wait_store(0)
        wait_store(1)

    return sc_kernel


def kernel(input_ids, dialect_ids, token_emb, dialect_emb, W, b):
    B, S = input_ids.shape
    table, dial = _project(token_emb, dialect_emb, W, b)
    info = plsc.get_sparse_core_info()
    sc = _make_sc_kernel(B, S, info.num_cores, info.num_subcores)
    ids3 = input_ids.astype(jnp.int32).reshape(B, 2, S // 2)
    return sc(ids3, dialect_ids.astype(jnp.int32), table, dial)

# --- scband reference (transcript-rebuilt; emitter-appended) ---
"""Pipeline reference for scband-dialectal-embedding-34316788695477 (READ-ONLY COPY).

The authoritative reference and input builder live on the scoring server;
editing this copy changes nothing except your own understanding.
"""

import jax, jax.numpy as jnp
import numpy as np

VOCAB = 100000
EMBED = 128
NUM_DIALECTS = 32
B = 1024
S = 200

def setup_inputs(seed: int = 0) -> dict:
    key = jax.random.key(seed)
    k1, k2, k3, k4, k5, k6 = jax.random.split(key, 6)
    input_ids = jax.random.randint(k1, (B, S), 0, VOCAB, dtype=jnp.int64 if jax.config.jax_enable_x64 else jnp.int32)
    dialect_ids = jax.random.randint(k2, (B,), 0, NUM_DIALECTS, dtype=jnp.int64 if jax.config.jax_enable_x64 else jnp.int32)
    token_emb = jax.random.normal(k3, (VOCAB, EMBED), dtype=jnp.float32) * 0.02
    dialect_emb = jax.random.normal(k4, (NUM_DIALECTS, EMBED), dtype=jnp.float32) * 0.02
    # nn.Linear(embed_dim*2, embed_dim): weight [out, in], bias [out]
    bound = 1.0 / np.sqrt(EMBED * 2)
    W = jax.random.uniform(k5, (EMBED, EMBED * 2), minval=-bound, maxval=bound, dtype=jnp.float32)
    b = jax.random.uniform(k6, (EMBED,), minval=-bound, maxval=bound, dtype=jnp.float32)
    return {"input_ids": input_ids, "dialect_ids": dialect_ids, "token_emb": token_emb, "dialect_emb": dialect_emb, "W": W, "b": b}

def reference(input_ids, dialect_ids, token_emb, dialect_emb, W, b):
    token_embeds = jnp.take(token_emb, input_ids, axis=0)            # [B, S, D]
    dialect_embeds = jnp.take(dialect_emb, dialect_ids, axis=0)      # [B, D]
    dialect_embeds = jnp.broadcast_to(dialect_embeds[:, None, :], (input_ids.shape[0], input_ids.shape[1], dialect_embeds.shape[-1]))
    combined = jnp.concatenate([token_embeds, dialect_embeds], axis=-1)  # [B, S, 2D]
    return combined @ W.T + b

if __name__ == "__main__":
    import jax
    _d = setup_inputs()
    print(jax.jit(kernel)(*tuple(_d.values())))

</pallas_src>

<mosaic_0001>
#map = affine_map<(d0, d1) -> (0, 0, 0)>
#map1 = affine_map<(d0, d1) -> (0)>
#map2 = affine_map<(d0, d1) -> (0, 0)>
module attributes {stable_mosaic.version = 14 : i64} {
  func.func @sc_kernel(%arg0: i32, %arg1: i32, %arg2: memref<1024x2x100xi32, #tpu.memory_space<hbm>>, %arg3: memref<1024xi32, #tpu.memory_space<hbm>>, %arg4: memref<100000x128xf32, #tpu.memory_space<hbm>>, %arg5: memref<32x128xf32, #tpu.memory_space<hbm>>, %arg6: memref<1024x200x128xf32, #tpu.memory_space<hbm>>, %arg7: memref<32x2x100xi32, #tpu.memory_space<vmem>>, %arg8: memref<32xi32, #tpu.memory_space<vmem>>, %arg9: memref<4x100x128xf32, #tpu.memory_space<vmem>>, %arg10: memref<2x200x128xf32, #tpu.memory_space<vmem>>, %arg11: memref<32x128xf32, #tpu.memory_space<vmem>>, %arg12: memref<!tpu.dma_semaphore, #tpu.memory_space<semaphore_mem>>, %arg13: memref<!tpu.dma_semaphore, #tpu.memory_space<semaphore_mem>>, %arg14: memref<!tpu.dma_semaphore, #tpu.memory_space<semaphore_mem>>, %arg15: memref<!tpu.dma_semaphore, #tpu.memory_space<semaphore_mem>>, %arg16: memref<!tpu.dma_semaphore, #tpu.memory_space<semaphore_mem>>, %arg17: memref<!tpu.dma_semaphore, #tpu.memory_space<semaphore_mem>>) attributes {dimension_semantics = [#tpu.dimension_semantics<core_parallel>, #tpu.dimension_semantics<subcore_parallel>], iteration_bounds = array<i64: 2, 16>, scalar_prefetch = 0 : i64, scratch_operands = 11 : i64, tpu.core_type = #tpu.core_type<sc_vector_subcore>, window_params = [{transform_indices = #map}, {transform_indices = #map1}, {transform_indices = #map2}, {transform_indices = #map2}, {transform_indices = #map}]} {
    %mul3A = arith.constant 2 : i32
    %mul3A_0 = arith.muli %arg1, %mul3A : i32
    %add3A = arith.addi %mul3A_0, %arg0 : i32
    %mul3A_1 = arith.constant 32 : i32
    %mul3A_2 = arith.muli %add3A, %mul3A_1 : i32
    "tpu.region"() ({
      %run_scoped3A = tpu.sem_alloc : memref<!tpu.dma_semaphore, #tpu.memory_space<semaphore_mem>>
      %dma_start3A_72 = arith.constant 0 : i32
      %dma_start3A_73 = arith.constant 0 : i32
      %dma_start3A_74 = tpu.memref_slice %arg2[%mul3A_2, %dma_start3A_72, %dma_start3A_73] : memref<1024x2x100xi32, #tpu.memory_space<hbm>> -> memref<32x2x100xi32, #tpu.memory_space<hbm>>
      %dma_start3A_75 = arith.constant 0 : i32
      %dma_start3A_76 = arith.constant 0 : i32
      %dma_start3A_77 = tpu.memref_slice %arg2[%mul3A_2, %dma_start3A_75, %dma_start3A_76] : memref<1024x2x100xi32, #tpu.memory_space<hbm>> -> memref<32x2x100xi32, #tpu.memory_space<hbm>>
      tpu.enqueue_dma source(%dma_start3A_77 : memref<32x2x100xi32, #tpu.memory_space<hbm>>) target(%arg7 : memref<32x2x100xi32, #tpu.memory_space<vmem>>) target_semaphore(%run_scoped3A : memref<!tpu.dma_semaphore, #tpu.memory_space<semaphore_mem>>)
      %dma_wait3A_78 = arith.constant 0 : i32
      %dma_wait3A_79 = arith.constant 0 : i32
      %dma_wait3A_80 = tpu.memref_slice %arg2[%mul3A_2, %dma_wait3A_78, %dma_wait3A_79] : memref<1024x2x100xi32, #tpu.memory_space<hbm>> -> memref<32x2x100xi32, #tpu.memory_space<hbm>>
      %dma_wait3A_81 = arith.constant 0 : i32
      %dma_wait3A_82 = arith.constant 0 : i32
      %dma_wait3A_83 = tpu.memref_slice %arg2[%mul3A_2, %dma_wait3A_81, %dma_wait3A_82] : memref<1024x2x100xi32, #tpu.memory_space<hbm>> -> memref<32x2x100xi32, #tpu.memory_space<hbm>>
      tpu.wait_dma2 semaphore(%run_scoped3A : memref<!tpu.dma_semaphore, #tpu.memory_space<semaphore_mem>>) src(%dma_wait3A_83 : memref<32x2x100xi32, #tpu.memory_space<hbm>>) dst(%arg7 : memref<32x2x100xi32, #tpu.memory_space<vmem>>)
      tpu.yield
    }) : () -> ()
    "tpu.region"() ({
      %run_scoped3A = tpu.sem_alloc : memref<!tpu.dma_semaphore, #tpu.memory_space<semaphore_mem>>
      %dma_start3A_72 = tpu.memref_slice %arg3[%mul3A_2] : memref<1024xi32, #tpu.memory_space<hbm>> -> memref<32xi32, #tpu.memory_space<hbm>>
      %dma_start3A_73 = tpu.memref_slice %arg3[%mul3A_2] : memref<1024xi32, #tpu.memory_space<hbm>> -> memref<32xi32, #tpu.memory_space<hbm>>
      tpu.enqueue_dma source(%dma_start3A_73 : memref<32xi32, #tpu.memory_space<hbm>>) target(%arg8 : memref<32xi32, #tpu.memory_space<vmem>>) target_semaphore(%run_scoped3A : memref<!tpu.dma_semaphore, #tpu.memory_space<semaphore_mem>>)
      %dma_wait3A_74 = tpu.memref_slice %arg3[%mul3A_2] : memref<1024xi32, #tpu.memory_space<hbm>> -> memref<32xi32, #tpu.memory_space<hbm>>
      %dma_wait3A_75 = tpu.memref_slice %arg3[%mul3A_2] : memref<1024xi32, #tpu.memory_space<hbm>> -> memref<32xi32, #tpu.memory_space<hbm>>
      tpu.wait_dma2 semaphore(%run_scoped3A : memref<!tpu.dma_semaphore, #tpu.memory_space<semaphore_mem>>) src(%dma_wait3A_75 : memref<32xi32, #tpu.memory_space<hbm>>) dst(%arg8 : memref<32xi32, #tpu.memory_space<vmem>>)
      tpu.yield
    }) : () -> ()
    %dma_start3A = arith.constant 0 : i32
    %dma_start3A_3 = arith.constant 0 : i32
    %dma_start3A_4 = tpu.memref_slice %arg5[%dma_start3A, %dma_start3A_3] : memref<32x128xf32, #tpu.memory_space<hbm>> -> memref<32x128xf32, #tpu.memory_space<hbm>>
    tpu.enqueue_indirect_dma source(%dma_start3A_4 : memref<32x128xf32, #tpu.memory_space<hbm>>) target(%arg11 : memref<32x128xf32, #tpu.memory_space<vmem>>) offsets(%arg8 : memref<32xi32, #tpu.memory_space<vmem>>) semaphore(%arg12 : memref<!tpu.dma_semaphore, #tpu.memory_space<semaphore_mem>>)
    %dma_wait3A = arith.constant 0 : i32
    %dma_wait3A_5 = arith.constant 0 : i32
    %dma_wait3A_6 = tpu.memref_slice %arg5[%dma_wait3A, %dma_wait3A_5] : memref<32x128xf32, #tpu.memory_space<hbm>> -> memref<32x128xf32, #tpu.memory_space<hbm>>
    tpu.wait_indirect_dma semaphore(%arg12 : memref<!tpu.dma_semaphore, #tpu.memory_space<semaphore_mem>>) src(%dma_wait3A_6 : memref<32x128xf32, #tpu.memory_space<hbm>>) dst(%arg11 : memref<32x128xf32, #tpu.memory_space<vmem>>)
    %dma_start3A_7 = arith.constant 0 : i32
    %dma_start3A_8 = arith.constant 0 : i32
    %dma_start3A_9 = arith.constant 0 : i32
    %dma_start3A_10 = arith.constant 0 : i32
    %dma_start3A_11 = arith.constant 0 : i32
    %dma_start3A_12 = tpu.memref_slice %arg9[%dma_start3A_9, %dma_start3A_10, %dma_start3A_11] : memref<4x100x128xf32, #tpu.memory_space<vmem>> -> memref<1x100x128xf32, #tpu.memory_space<vmem>>
    %dma_start3A_13 = tpu.memref_squeeze %dma_start3A_12 : memref<1x100x128xf32, #tpu.memory_space<vmem>> -> memref<100x128xf32, #tpu.memory_space<vmem>>
    %dma_start3A_14 = arith.constant 0 : i32
    %dma_start3A_15 = tpu.memref_slice %arg7[%dma_start3A_7, %dma_start3A_8, %dma_start3A_14] : memref<32x2x100xi32, #tpu.memory_space<vmem>> -> memref<1x1x100xi32, #tpu.memory_space<vmem>>
    %dma_start3A_16 = tpu.memref_squeeze %dma_start3A_15 : memref<1x1x100xi32, #tpu.memory_space<vmem>> -> memref<100xi32, #tpu.memory_space<vmem>>
    %dma_start3A_17 = arith.constant 0 : i32
    %dma_start3A_18 = arith.constant 0 : i32
    %dma_start3A_19 = tpu.memref_slice %arg4[%dma_start3A_17, %dma_start3A_18] : memref<100000x128xf32, #tpu.memory_space<hbm>> -> memref<100000x128xf32, #tpu.memory_space<hbm>>
    tpu.enqueue_indirect_dma source(%dma_start3A_19 : memref<100000x128xf32, #tpu.memory_space<hbm>>) target(%dma_start3A_13 : memref<100x128xf32, #tpu.memory_space<vmem>>) offsets(%dma_start3A_16 : memref<100xi32, #tpu.memory_space<vmem>>) semaphore(%arg12 : memref<!tpu.dma_semaphore, #tpu.memory_space<semaphore_mem>>)
    %dma_start3A_20 = arith.constant 0 : i32
    %dma_start3A_21 = arith.constant 1 : i32
    %dma_start3A_22 = arith.constant 1 : i32
    %dma_start3A_23 = arith.constant 0 : i32
    %dma_start3A_24 = arith.constant 0 : i32
    %dma_start3A_25 = tpu.memref_slice %arg9[%dma_start3A_22, %dma_start3A_23, %dma_start3A_24] : memref<4x100x128xf32, #tpu.memory_space<vmem>> -> memref<1x100x128xf32, #tpu.memory_space<vmem>>
    %dma_start3A_26 = tpu.memref_squeeze %dma_start3A_25 : memref<1x100x128xf32, #tpu.memory_space<vmem>> -> memref<100x128xf32, #tpu.memory_space<vmem>>
    %dma_start3A_27 = arith.constant 0 : i32
    %dma_start3A_28 = tpu.memref_slice %arg7[%dma_start3A_20, %dma_start3A_21, %dma_start3A_27] : memref<32x2x100xi32, #tpu.memory_space<vmem>> -> memref<1x1x100xi32, #tpu.memory_space<vmem>>
    %dma_start3A_29 = tpu.memref_squeeze %dma_start3A_28 : memref<1x1x100xi32, #tpu.memory_space<vmem>> -> memref<100xi32, #tpu.memory_space<vmem>>
    %dma_start3A_30 = arith.constant 0 : i32
    %dma_start3A_31 = arith.constant 0 : i32
    %dma_start3A_32 = tpu.memref_slice %arg4[%dma_start3A_30, %dma_start3A_31] : memref<100000x128xf32, #tpu.memory_space<hbm>> -> memref<100000x128xf32, #tpu.memory_space<hbm>>
    tpu.enqueue_indirect_dma source(%dma_start3A_32 : memref<100000x128xf32, #tpu.memory_space<hbm>>) target(%dma_start3A_26 : memref<100x128xf32, #tpu.memory_space<vmem>>) offsets(%dma_start3A_29 : memref<100xi32, #tpu.memory_space<vmem>>) semaphore(%arg13 : memref<!tpu.dma_semaphore, #tpu.memory_space<semaphore_mem>>)
    %scan3A = arith.constant 0 : i32
    %scan3A_33 = arith.constant 0 : i32
    %scan3A_34 = arith.constant 16 : i32
    %scan3A_35 = arith.addi %scan3A_33, %scan3A_34 : i32
    %scan3A_36 = arith.constant 1 : i32
    scf.for %scan3A_72 = %scan3A_33 to %scan3A_35 step %scan3A_36  : i32 {
      %mul3A_73 = arith.constant 2 : i32
      %mul3A_74 = arith.muli %mul3A_73, %scan3A_72 : i32
      %add3A_75 = arith.constant 0 : i32
      %add3A_76 = arith.addi %mul3A_74, %add3A_75 : i32
      %dma_wait3A_77 = arith.constant 0 : i32
      %dma_wait3A_78 = arith.constant 0 : i32
      %dma_wait3A_79 = arith.constant 0 : i32
      %dma_wait3A_80 = arith.constant 0 : i32
      %dma_wait3A_81 = tpu.memref_slice %arg9[%dma_wait3A_78, %dma_wait3A_79, %dma_wait3A_80] : memref<4x100x128xf32, #tpu.memory_space<vmem>> -> memref<1x100x128xf32, #tpu.memory_space<vmem>>
      %dma_wait3A_82 = tpu.memref_squeeze %dma_wait3A_81 : memref<1x100x128xf32, #tpu.memory_space<vmem>> -> memref<100x128xf32, #tpu.memory_space<vmem>>
      %dma_wait3A_83 = arith.constant 0 : i32
      %dma_wait3A_84 = tpu.memref_slice %arg7[%add3A_76, %dma_wait3A_77, %dma_wait3A_83] : memref<32x2x100xi32, #tpu.memory_space<vmem>> -> memref<1x1x100xi32, #tpu.memory_space<vmem>>
      %dma_wait3A_85 = tpu.memref_squeeze %dma_wait3A_84 : memref<1x1x100xi32, #tpu.memory_space<vmem>> -> memref<100xi32, #tpu.memory_space<vmem>>
      %dma_wait3A_86 = arith.constant 0 : i32
      %dma_wait3A_87 = arith.constant 0 : i32
      %dma_wait3A_88 = tpu.memref_slice %arg4[%dma_wait3A_86, %dma_wait3A_87] : memref<100000x128xf32, #tpu.memory_space<hbm>> -> memref<100000x128xf32, #tpu.memory_space<hbm>>
      tpu.wait_indirect_dma semaphore(%arg12 : memref<!tpu.dma_semaphore, #tpu.memory_space<semaphore_mem>>) src(%dma_wait3A_88 : memref<100000x128xf32, #tpu.memory_space<hbm>>) dst(%dma_wait3A_82 : memref<100x128xf32, #tpu.memory_space<vmem>>)
      %mul3A_89 = arith.constant 2 : i32
      %mul3A_90 = arith.muli %mul3A_89, %scan3A_72 : i32
      %add3A_91 = arith.constant 1 : i32
      %add3A_92 = arith.addi %mul3A_90, %add3A_91 : i32
      %dma_start3A_93 = arith.constant 0 : i32
      %dma_start3A_94 = arith.constant 2 : i32
      %dma_start3A_95 = arith.constant 0 : i32
      %dma_start3A_96 = arith.constant 0 : i32
      %dma_start3A_97 = tpu.memref_slice %arg9[%dma_start3A_94, %dma_start3A_95, %dma_start3A_96] : memref<4x100x128xf32, #tpu.memory_space<vmem>> -> memref<1x100x128xf32, #tpu.memory_space<vmem>>
      %dma_start3A_98 = tpu.memref_squeeze %dma_start3A_97 : memref<1x100x128xf32, #tpu.memory_space<vmem>> -> memref<100x128xf32, #tpu.memory_space<vmem>>
      %dma_start3A_99 = arith.constant 0 : i32
      %dma_start3A_100 = tpu.memref_slice %arg7[%add3A_92, %dma_start3A_93, %dma_start3A_99] : memref<32x2x100xi32, #tpu.memory_space<vmem>> -> memref<1x1x100xi32, #tpu.memory_space<vmem>>
      %dma_start3A_101 = tpu.memref_squeeze %dma_start3A_100 : memref<1x1x100xi32, #tpu.memory_space<vmem>> -> memref<100xi32, #tpu.memory_space<vmem>>
      %dma_start3A_102 = arith.constant 0 : i32
      %dma_start3A_103 = arith.constant 0 : i32
      %dma_start3A_104 = tpu.memref_slice %arg4[%dma_start3A_102, %dma_start3A_103] : memref<100000x128xf32, #tpu.memory_space<hbm>> -> memref<100000x128xf32, #tpu.memory_space<hbm>>
      tpu.enqueue_indirect_dma source(%dma_start3A_104 : memref<100000x128xf32, #tpu.memory_space<hbm>>) target(%dma_start3A_98 : memref<100x128xf32, #tpu.memory_space<vmem>>) offsets(%dma_start3A_101 : memref<100xi32, #tpu.memory_space<vmem>>) semaphore(%arg14 : memref<!tpu.dma_semaphore, #tpu.memory_space<semaphore_mem>>)
      %ge3A = arith.constant 1 : i32
      %ge3A_105 = arith.cmpi sge, %scan3A_72, %ge3A : i32
      %convert_element_type3A = arith.extui %ge3A_105 : i1 to i32
      %cond3A = arith.constant 0 : i32
      %cond3A_106 = arith.cmpi ne, %convert_element_type3A, %cond3A : i32
      scf.if %cond3A_106 {
        %dma_wait3A_388 = arith.constant 0 : i32
        %dma_wait3A_389 = arith.constant 0 : i32
        %dma_wait3A_390 = arith.constant 0 : i32
        %dma_wait3A_391 = tpu.memref_slice %arg10[%dma_wait3A_388, %dma_wait3A_389, %dma_wait3A_390] : memref<2x200x128xf32, #tpu.memory_space<vmem>> -> memref<1x200x128xf32, #tpu.memory_space<vmem>>
        %dma_wait3A_392 = tpu.memref_squeeze %dma_wait3A_391 : memref<1x200x128xf32, #tpu.memory_space<vmem>> -> memref<200x128xf32, #tpu.memory_space<vmem>>
        %dma_wait3A_393 = arith.constant 0 : i32
        %dma_wait3A_394 = arith.constant 0 : i32
        %dma_wait3A_395 = tpu.memref_slice %arg6[%mul3A_2, %dma_wait3A_393, %dma_wait3A_394] : memref<1024x200x128xf32, #tpu.memory_space<hbm>> -> memref<1x200x128xf32, #tpu.memory_space<hbm>>
        %dma_wait3A_396 = tpu.memref_squeeze %dma_wait3A_395 : memref<1x200x128xf32, #tpu.memory_space<hbm>> -> memref<200x128xf32, #tpu.memory_space<hbm>>
        %dma_wait3A_397 = arith.constant 0 : i32
        %dma_wait3A_398 = arith.constant 0 : i32
        %dma_wait3A_399 = tpu.memref_slice %arg6[%mul3A_2, %dma_wait3A_397, %dma_wait3A_398] : memref<1024x200x128xf32, #tpu.memory_space<hbm>> -> memref<1x200x128xf32, #tpu.memory_space<hbm>>
        %dma_wait3A_400 = tpu.memref_squeeze %dma_wait3A_399 : memref<1x200x128xf32, #tpu.memory_space<hbm>> -> memref<200x128xf32, #tpu.memory_space<hbm>>
        %dma_wait3A_401 = arith.constant 0 : i32
        %dma_wait3A_402 = arith.constant 0 : i32
        %dma_wait3A_403 = tpu.memref_slice %arg10[%dma_wait3A_388, %dma_wait3A_401, %dma_wait3A_402] : memref<2x200x128xf32, #tpu.memory_space<vmem>> -> memref<1x200x128xf32, #tpu.memory_space<vmem>>
        %dma_wait3A_404 = tpu.memref_squeeze %dma_wait3A_403 : memref<1x200x128xf32, #tpu.memory_space<vmem>> -> memref<200x128xf32, #tpu.memory_space<vmem>>
        tpu.wait_dma2 semaphore(%arg16 : memref<!tpu.dma_semaphore, #tpu.memory_space<semaphore_mem>>) src(%dma_wait3A_404 : memref<200x128xf32, #tpu.memory_space<vmem>>) dst(%dma_wait3A_400 : memref<200x128xf32, #tpu.memory_space<hbm>>)
      } else {
      }
      %get3A = arith.index_cast %add3A_76 : i32 to index
      %get3A_107 = arith.constant 0 : index
      %get3A_108 = tpu.vector_load %arg11[%get3A, %get3A_107] {strides = array<i32>} : memref<32x128xf32, #tpu.memory_space<vmem>>, vector<1x16xf32>,
      %get3A_109 = vector.shape_cast %get3A_108 : vector<1x16xf32> to vector<16xf32>
      %get3A_110 = arith.index_cast %add3A_76 : i32 to index
      %get3A_111 = arith.constant 16 : index
      %get3A_112 = tpu.vector_load %arg11[%get3A_110, %get3A_111] {strides = array<i32>} : memref<32x128xf32, #tpu.memory_space<vmem>>, vector<1x16xf32>,
      %get3A_113 = vector.shape_cast %get3A_112 : vector<1x16xf32> to vector<16xf32>
      %get3A_114 = arith.index_cast %add3A_76 : i32 to index
      %get3A_115 = arith.constant 32 : index
      %get3A_116 = tpu.vector_load %arg11[%get3A_114, %get3A_115] {strides = array<i32>} : memref<32x128xf32, #tpu.memory_space<vmem>>, vector<1x16xf32>,
      %get3A_117 = vector.shape_cast %get3A_116 : vector<1x16xf32> to vector<16xf32>
      %get3A_118 = arith.index_cast %add3A_76 : i32 to index
      %get3A_119 = arith.constant 48 : index
      %get3A_120 = tpu.vector_load %arg11[%get3A_118, %get3A_119] {strides = array<i32>} : memref<32x128xf32, #tpu.memory_space<vmem>>, vector<1x16xf32>,
      %get3A_121 = vector.shape_cast %get3A_120 : vector<1x16xf32> to vector<16xf32>
      %get3A_122 = arith.index_cast %add3A_76 : i32 to index
      %get3A_123 = arith.constant 64 : index
      %get3A_124 = tpu.vector_load %arg11[%get3A_122, %get3A_123] {strides = array<i32>} : memref<32x128xf32, #tpu.memory_space<vmem>>, vector<1x16xf32>,
      %get3A_125 = vector.shape_cast %get3A_124 : vector<1x16xf32> to vector<16xf32>
      %get3A_126 = arith.index_cast %add3A_76 : i32 to index
      %get3A_127 = arith.constant 80 : index
      %get3A_128 = tpu.vector_load %arg11[%get3A_126, %get3A_127] {strides = array<i32>} : memref<32x128xf32, #tpu.memory_space<vmem>>, vector<1x16xf32>,
      %get3A_129 = vector.shape_cast %get3A_128 : vector<1x16xf32> to vector<16xf32>
      %get3A_130 = arith.index_cast %add3A_76 : i32 to index
      %get3A_131 = arith.constant 96 : index
      %get3A_132 = tpu.vector_load %arg11[%get3A_130, %get3A_131] {strides = array<i32>} : memref<32x128xf32, #tpu.memory_space<vmem>>, vector<1x16xf32>,
      %get3A_133 = vector.shape_cast %get3A_132 : vector<1x16xf32> to vector<16xf32>
      %get3A_134 = arith.index_cast %add3A_76 : i32 to index
      %get3A_135 = arith.constant 112 : index
      %get3A_136 = tpu.vector_load %arg11[%get3A_134, %get3A_135] {strides = array<i32>} : memref<32x128xf32, #tpu.memory_space<vmem>>, vector<1x16xf32>,
      %get3A_137 = vector.shape_cast %get3A_136 : vector<1x16xf32> to vector<16xf32>
      %scan3A_138 = arith.constant 0 : i32
      %scan3A_139 = arith.constant 0 : i32
      %scan3A_140 = arith.constant 0 : i32
      %scan3A_141 = arith.constant 0 : i32
      %scan3A_142 = arith.constant 100 : i32
      %scan3A_143 = arith.addi %scan3A_141, %scan3A_142 : i32
      %scan3A_144 = arith.constant 1 : i32
      scf.for %scan3A_388 = %scan3A_141 to %scan3A_143 step %scan3A_144  : i32 {
        %add3A_389 = arith.constant 0 : i32
        %add3A_390 = arith.addi %add3A_389, %scan3A_388 : i32
        %get3A_391 = arith.constant 0 : i32
        %get3A_392 = arith.constant 0 : i32
        %get3A_393 = tpu.memref_slice %arg9[%scan3A_139, %get3A_391, %get3A_392] : memref<4x100x128xf32, #tpu.memory_space<vmem>> -> memref<1x100x128xf32, #tpu.memory_space<vmem>>
        %get3A_394 = tpu.memref_squeeze %get3A_393 : memref<1x100x128xf32, #tpu.memory_space<vmem>> -> memref<100x128xf32, #tpu.memory_space<vmem>>
        %get3A_395 = arith.index_cast %scan3A_388 : i32 to index
        %get3A_396 = arith.constant 0 : index
        %get3A_397 = tpu.vector_load %get3A_394[%get3A_395, %get3A_396] {strides = array<i32>} : memref<100x128xf32, #tpu.memory_space<vmem>>, vector<1x16xf32>,
        %get3A_398 = vector.shape_cast %get3A_397 : vector<1x16xf32> to vector<16xf32>
        %add3A_399 = arith.addf %get3A_398, %get3A_109 : vector<16xf32>
        %swap3A = arith.constant 0 : i32
        %swap3A_400 = arith.constant 0 : i32
        %swap3A_401 = tpu.memref_slice %arg10[%scan3A_140, %swap3A, %swap3A_400] : memref<2x200x128xf32, #tpu.memory_space<vmem>> -> memref<1x200x128xf32, #tpu.memory_space<vmem>>
        %swap3A_402 = tpu.memref_squeeze %swap3A_401 : memref<1x200x128xf32, #tpu.memory_space<vmem>> -> memref<200x128xf32, #tpu.memory_space<vmem>>
        %swap3A_403 = arith.index_cast %add3A_390 : i32 to index
        %swap3A_404 = arith.constant 0 : index
        %swap3A_405 = tpu.vector_load %swap3A_402[%swap3A_403, %swap3A_404] {strides = array<i32>} : memref<200x128xf32, #tpu.memory_space<vmem>>, vector<1x16xf32>,
        %swap3A_406 = vector.shape_cast %swap3A_405 : vector<1x16xf32> to vector<16xf32>
        %swap3A_407 = vector.shape_cast %add3A_399 : vector<16xf32> to vector<1x16xf32>
        tpu.vector_store %swap3A_402[%swap3A_403, %swap3A_404], %swap3A_407 {strides = array<i32>} : memref<200x128xf32, #tpu.memory_space<vmem>>, vector<1x16xf32>,
        %get3A_408 = arith.constant 0 : i32
        %get3A_409 = arith.constant 0 : i32
        %get3A_410 = tpu.memref_slice %arg9[%scan3A_139, %get3A_408, %get3A_409] : memref<4x100x128xf32, #tpu.memory_space<vmem>> -> memref<1x100x128xf32, #tpu.memory_space<vmem>>
        %get3A_411 = tpu.memref_squeeze %get3A_410 : memref<1x100x128xf32, #tpu.memory_space<vmem>> -> memref<100x128xf32, #tpu.memory_space<vmem>>
        %get3A_412 = arith.index_cast %scan3A_388 : i32 to index
        %get3A_413 = arith.constant 16 : index
        %get3A_414 = tpu.vector_load %get3A_411[%get3A_412, %get3A_413] {strides = array<i32>} : memref<100x128xf32, #tpu.memory_space<vmem>>, vector<1x16xf32>,
        %get3A_415 = vector.shape_cast %get3A_414 : vector<1x16xf32> to vector<16xf32>
        %add3A_416 = arith.addf %get3A_415, %get3A_113 : vector<16xf32>
        %swap3A_417 = arith.constant 0 : i32
        %swap3A_418 = arith.constant 0 : i32
        %swap3A_419 = tpu.memref_slice %arg10[%scan3A_140, %swap3A_417, %swap3A_418] : memref<2x200x128xf32, #tpu.memory_space<vmem>> -> memref<1x200x128xf32, #tpu.memory_space<vmem>>
        %swap3A_420 = tpu.memref_squeeze %swap3A_419 : memref<1x200x128xf32, #tpu.memory_space<vmem>> -> memref<200x128xf32, #tpu.memory_space<vmem>>
        %swap3A_421 = arith.index_cast %add3A_390 : i32 to index
        %swap3A_422 = arith.constant 16 : index
        %swap3A_423 = tpu.vector_load %swap3A_420[%swap3A_421, %swap3A_422] {strides = array<i32>} : memref<200x128xf32, #tpu.memory_space<vmem>>, vector<1x16xf32>,
        %swap3A_424 = vector.shape_cast %swap3A_423 : vector<1x16xf32> to vector<16xf32>
        %swap3A_425 = vector.shape_cast %add3A_416 : vector<16xf32> to vector<1x16xf32>
        tpu.vector_store %swap3A_420[%swap3A_421, %swap3A_422], %swap3A_425 {strides = array<i32>} : memref<200x128xf32, #tpu.memory_space<vmem>>, vector<1x16xf32>,
        %get3A_426 = arith.constant 0 : i32
        %get3A_427 = arith.constant 0 : i32
        %get3A_428 = tpu.memref_slice %arg9[%scan3A_139, %get3A_426, %get3A_427] : memref<4x100x128xf32, #tpu.memory_space<vmem>> -> memref<1x100x128xf32, #tpu.memory_space<vmem>>
        %get3A_429 = tpu.memref_squeeze %get3A_428 : memref<1x100x128xf32, #tpu.memory_space<vmem>> -> memref<100x128xf32, #tpu.memory_space<vmem>>
        %get3A_430 = arith.index_cast %scan3A_388 : i32 to index
        %get3A_431 = arith.constant 32 : index
        %get3A_432 = tpu.vector_load %get3A_429[%get3A_430, %get3A_431] {strides = array<i32>} : memref<100x128xf32, #tpu.memory_space<vmem>>, vector<1x16xf32>,
        %get3A_433 = vector.shape_cast %get3A_432 : vector<1x16xf32> to vector<16xf32>
        %add3A_434 = arith.addf %get3A_433, %get3A_117 : vector<16xf32>
        %swap3A_435 = arith.constant 0 : i32
        %swap3A_436 = arith.constant 0 : i32
        %swap3A_437 = tpu.memref_slice %arg10[%scan3A_140, %swap3A_435, %swap3A_436] : memref<2x200x128xf32, #tpu.memory_space<vmem>> -> memref<1x200x128xf32, #tpu.memory_space<vmem>>
        %swap3A_438 = tpu.memref_squeeze %swap3A_437 : memref<1x200x128xf32, #tpu.memory_space<vmem>> -> memref<200x128xf32, #tpu.memory_space<vmem>>
        %swap3A_439 = arith.index_cast %add3A_390 : i32 to index
        %swap3A_440 = arith.constant 32 : index
        %swap3A_441 = tpu.vector_load %swap3A_438[%swap3A_439, %swap3A_440] {strides = array<i32>} : memref<200x128xf32, #tpu.memory_space<vmem>>, vector<1x16xf32>,
        %swap3A_442 = vector.shape_cast %swap3A_441 : vector<1x16xf32> to vector<16xf32>
        %swap3A_443 = vector.shape_cast %add3A_434 : vector<16xf32> to vector<1x16xf32>
        tpu.vector_store %swap3A_438[%swap3A_439, %swap3A_440], %swap3A_443 {strides = array<i32>} : memref<200x128xf32, #tpu.memory_space<vmem>>, vector<1x16xf32>,
        %get3A_444 = arith.constant 0 : i32
        %get3A_445 = arith.constant 0 : i32
        %get3A_446 = tpu.memref_slice %arg9[%scan3A_139, %get3A_444, %get3A_445] : memref<4x100x128xf32, #tpu.memory_space<vmem>> -> memref<1x100x128xf32, #tpu.memory_space<vmem>>
        %get3A_447 = tpu.memref_squeeze %get3A_446 : memref<1x100x128xf32, #tpu.memory_space<vmem>> -> memref<100x128xf32, #tpu.memory_space<vmem>>
        %get3A_448 = arith.index_cast %scan3A_388 : i32 to index
        %get3A_449 = arith.constant 48 : index
        %get3A_450 = tpu.vector_load %get3A_447[%get3A_448, %get3A_449] {strides = array<i32>} : memref<100x128xf32, #tpu.memory_space<vmem>>, vector<1x16xf32>,
        %get3A_451 = vector.shape_cast %get3A_450 : vector<1x16xf32> to vector<16xf32>
        %add3A_452 = arith.addf %get3A_451, %get3A_121 : vector<16xf32>
        %swap3A_453 = arith.constant 0 : i32
        %swap3A_454 = arith.constant 0 : i32
        %swap3A_455 = tpu.memref_slice %arg10[%scan3A_140, %swap3A_453, %swap3A_454] : memref<2x200x128xf32, #tpu.memory_space<vmem>> -> memref<1x200x128xf32, #tpu.memory_space<vmem>>
        %swap3A_456 = tpu.memref_squeeze %swap3A_455 : memref<1x200x128xf32, #tpu.memory_space<vmem>> -> memref<200x128xf32, #tpu.memory_space<vmem>>
        %swap3A_457 = arith.index_cast %add3A_390 : i32 to index
        %swap3A_458 = arith.constant 48 : index
        %swap3A_459 = tpu.vector_load %swap3A_456[%swap3A_457, %swap3A_458] {strides = array<i32>} : memref<200x128xf32, #tpu.memory_space<vmem>>, vector<1x16xf32>,
        %swap3A_460 = vector.shape_cast %swap3A_459 : vector<1x16xf32> to vector<16xf32>
        %swap3A_461 = vector.shape_cast %add3A_452 : vector<16xf32> to vector<1x16xf32>
        tpu.vector_store %swap3A_456[%swap3A_457, %swap3A_458], %swap3A_461 {strides = array<i32>} : memref<200x128xf32, #tpu.memory_space<vmem>>, vector<1x16xf32>,
        %get3A_462 = arith.constant 0 : i32
        %get3A_463 = arith.constant 0 : i32
        %get3A_464 = tpu.memref_slice %arg9[%scan3A_139, %get3A_462, %get3A_463] : memref<4x100x128xf32, #tpu.memory_space<vmem>> -> memref<1x100x128xf32, #tpu.memory_space<vmem>>
        %get3A_465 = tpu.memref_squeeze %get3A_464 : memref<1x100x128xf32, #tpu.memory_space<vmem>> -> memref<100x128xf32, #tpu.memory_space<vmem>>
        %get3A_466 = arith.index_cast %scan3A_388 : i32 to index
        %get3A_467 = arith.constant 64 : index
        %get3A_468 = tpu.vector_load %get3A_465[%get3A_466, %get3A_467] {strides = array<i32>} : memref<100x128xf32, #tpu.memory_space<vmem>>, vector<1x16xf32>,
        %get3A_469 = vector.shape_cast %get3A_468 : vector<1x16xf32> to vector<16xf32>
        %add3A_470 = arith.addf %get3A_469, %get3A_125 : vector<16xf32>
        %swap3A_471 = arith.constant 0 : i32
        %swap3A_472 = arith.constant 0 : i32
        %swap3A_473 = tpu.memref_slice %arg10[%scan3A_140, %swap3A_471, %swap3A_472] : memref<2x200x128xf32, #tpu.memory_space<vmem>> -> memref<1x200x128xf32, #tpu.memory_space<vmem>>
        %swap3A_474 = tpu.memref_squeeze %swap3A_473 : memref<1x200x128xf32, #tpu.memory_space<vmem>> -> memref<200x128xf32, #tpu.memory_space<vmem>>
        %swap3A_475 = arith.index_cast %add3A_390 : i32 to index
        %swap3A_476 = arith.constant 64 : index
        %swap3A_477 = tpu.vector_load %swap3A_474[%swap3A_475, %swap3A_476] {strides = array<i32>} : memref<200x128xf32, #tpu.memory_space<vmem>>, vector<1x16xf32>,
        %swap3A_478 = vector.shape_cast %swap3A_477 : vector<1x16xf32> to vector<16xf32>
        %swap3A_479 = vector.shape_cast %add3A_470 : vector<16xf32> to vector<1x16xf32>
        tpu.vector_store %swap3A_474[%swap3A_475, %swap3A_476], %swap3A_479 {strides = array<i32>} : memref<200x128xf32, #tpu.memory_space<vmem>>, vector<1x16xf32>,
        %get3A_480 = arith.constant 0 : i32
        %get3A_481 = arith.constant 0 : i32
        %get3A_482 = tpu.memref_slice %arg9[%scan3A_139, %get3A_480, %get3A_481] : memref<4x100x128xf32, #tpu.memory_space<vmem>> -> memref<1x100x128xf32, #tpu.memory_space<vmem>>
        %get3A_483 = tpu.memref_squeeze %get3A_482 : memref<1x100x128xf32, #tpu.memory_space<vmem>> -> memref<100x128xf32, #tpu.memory_space<vmem>>
        %get3A_484 = arith.index_cast %scan3A_388 : i32 to index
        %get3A_485 = arith.constant 80 : index
        %get3A_486 = tpu.vector_load %get3A_483[%get3A_484, %get3A_485] {strides = array<i32>} : memref<100x128xf32, #tpu.memory_space<vmem>>, vector<1x16xf32>,
        %get3A_487 = vector.shape_cast %get3A_486 : vector<1x16xf32> to vector<16xf32>
        %add3A_488 = arith.addf %get3A_487, %get3A_129 : vector<16xf32>
        %swap3A_489 = arith.constant 0 : i32
        %swap3A_490 = arith.constant 0 : i32
        %swap3A_491 = tpu.memref_slice %arg10[%scan3A_140, %swap3A_489, %swap3A_490] : memref<2x200x128xf32, #tpu.memory_space<vmem>> -> memref<1x200x128xf32, #tpu.memory_space<vmem>>
        %swap3A_492 = tpu.memref_squeeze %swap3A_491 : memref<1x200x128xf32, #tpu.memory_space<vmem>> -> memref<200x128xf32, #tpu.memory_space<vmem>>
        %swap3A_493 = arith.index_cast %add3A_390 : i32 to index
        %swap3A_494 = arith.constant 80 : index
        %swap3A_495 = tpu.vector_load %swap3A_492[%swap3A_493, %swap3A_494] {strides = array<i32>} : memref<200x128xf32, #tpu.memory_space<vmem>>, vector<1x16xf32>,
        %swap3A_496 = vector.shape_cast %swap3A_495 : vector<1x16xf32> to vector<16xf32>
        %swap3A_497 = vector.shape_cast %add3A_488 : vector<16xf32> to vector<1x16xf32>
        tpu.vector_store %swap3A_492[%swap3A_493, %swap3A_494], %swap3A_497 {strides = array<i32>} : memref<200x128xf32, #tpu.memory_space<vmem>>, vector<1x16xf32>,
        %get3A_498 = arith.constant 0 : i32
        %get3A_499 = arith.constant 0 : i32
        %get3A_500 = tpu.memref_slice %arg9[%scan3A_139, %get3A_498, %get3A_499] : memref<4x100x128xf32, #tpu.memory_space<vmem>> -> memref<1x100x128xf32, #tpu.memory_space<vmem>>
        %get3A_501 = tpu.memref_squeeze %get3A_500 : memref<1x100x128xf32, #tpu.memory_space<vmem>> -> memref<100x128xf32, #tpu.memory_space<vmem>>
        %get3A_502 = arith.index_cast %scan3A_388 : i32 to index
        %get3A_503 = arith.constant 96 : index
        %get3A_504 = tpu.vector_load %get3A_501[%get3A_502, %get3A_503] {strides = array<i32>} : memref<100x128xf32, #tpu.memory_space<vmem>>, vector<1x16xf32>,
        %get3A_505 = vector.shape_cast %get3A_504 : vector<1x16xf32> to vector<16xf32>
        %add3A_506 = arith.addf %get3A_505, %get3A_133 : vector<16xf32>
        %swap3A_507 = arith.constant 0 : i32
        %swap3A_508 = arith.constant 0 : i32
        %swap3A_509 = tpu.memref_slice %arg10[%scan3A_140, %swap3A_507, %swap3A_508] : memref<2x200x128xf32, #tpu.memory_space<vmem>> -> memref<1x200x128xf32, #tpu.memory_space<vmem>>
        %swap3A_510 = tpu.memref_squeeze %swap3A_509 : memref<1x200x128xf32, #tpu.memory_space<vmem>> -> memref<200x128xf32, #tpu.memory_space<vmem>>
        %swap3A_511 = arith.index_cast %add3A_390 : i32 to index
        %swap3A_512 = arith.constant 96 : index
        %swap3A_513 = tpu.vector_load %swap3A_510[%swap3A_511, %swap3A_512] {strides = array<i32>} : memref<200x128xf32, #tpu.memory_space<vmem>>, vector<1x16xf32>,
        %swap3A_514 = vector.shape_cast %swap3A_513 : vector<1x16xf32> to vector<16xf32>
        %swap3A_515 = vector.shape_cast %add3A_506 : vector<16xf32> to vector<1x16xf32>
        tpu.vector_store %swap3A_510[%swap3A_511, %swap3A_512], %swap3A_515 {strides = array<i32>} : memref<200x128xf32, #tpu.memory_space<vmem>>, vector<1x16xf32>,
        %get3A_516 = arith.constant 0 : i32
        %get3A_517 = arith.constant 0 : i32
        %get3A_518 = tpu.memref_slice %arg9[%scan3A_139, %get3A_516, %get3A_517] : memref<4x100x128xf32, #tpu.memory_space<vmem>> -> memref<1x100x128xf32, #tpu.memory_space<vmem>>
        %get3A_519 = tpu.memref_squeeze %get3A_518 : memref<1x100x128xf32, #tpu.memory_space<vmem>> -> memref<100x128xf32, #tpu.memory_space<vmem>>
        %get3A_520 = arith.index_cast %scan3A_388 : i32 to index
        %get3A_521 = arith.constant 112 : index
        %get3A_522 = tpu.vector_load %get3A_519[%get3A_520, %get3A_521] {strides = array<i32>} : memref<100x128xf32, #tpu.memory_space<vmem>>, vector<1x16xf32>,
        %get3A_523 = vector.shape_cast %get3A_522 : vector<1x16xf32> to vector<16xf32>
        %add3A_524 = arith.addf %get3A_523, %get3A_137 : vector<16xf32>
        %swap3A_525 = arith.constant 0 : i32
        %swap3A_526 = arith.constant 0 : i32
        %swap3A_527 = tpu.memref_slice %arg10[%scan3A_140, %swap3A_525, %swap3A_526] : memref<2x200x128xf32, #tpu.memory_space<vmem>> -> memref<1x200x128xf32, #tpu.memory_space<vmem>>
        %swap3A_528 = tpu.memref_squeeze %swap3A_527 : memref<1x200x128xf32, #tpu.memory_space<vmem>> -> memref<200x128xf32, #tpu.memory_space<vmem>>
        %swap3A_529 = arith.index_cast %add3A_390 : i32 to index
        %swap3A_530 = arith.constant 112 : index
        %swap3A_531 = tpu.vector_load %swap3A_528[%swap3A_529, %swap3A_530] {strides = array<i32>} : memref<200x128xf32, #tpu.memory_space<vmem>>, vector<1x16xf32>,
        %swap3A_532 = vector.shape_cast %swap3A_531 : vector<1x16xf32> to vector<16xf32>
        %swap3A_533 = vector.shape_cast %add3A_524 : vector<16xf32> to vector<1x16xf32>
        tpu.vector_store %swap3A_528[%swap3A_529, %swap3A_530], %swap3A_533 {strides = array<i32>} : memref<200x128xf32, #tpu.memory_space<vmem>>, vector<1x16xf32>,
      }
      %scan3A_145 = arith.constant 100 : i32
      %mul3A_146 = arith.constant 2 : i32
      %mul3A_147 = arith.muli %mul3A_146, %scan3A_72 : i32
      %add3A_148 = arith.constant 0 : i32
      %add3A_149 = arith.addi %mul3A_147, %add3A_148 : i32
      %dma_wait3A_150 = arith.constant 1 : i32
      %dma_wait3A_151 = arith.constant 1 : i32
      %dma_wait3A_152 = arith.constant 0 : i32
      %dma_wait3A_153 = arith.constant 0 : i32
      %dma_wait3A_154 = tpu.memref_slice %arg9[%dma_wait3A_151, %dma_wait3A_152, %dma_wait3A_153] : memref<4x100x128xf32, #tpu.memory_space<vmem>> -> memref<1x100x128xf32, #tpu.memory_space<vmem>>
      %dma_wait3A_155 = tpu.memref_squeeze %dma_wait3A_154 : memref<1x100x128xf32, #tpu.memory_space<vmem>> -> memref<100x128xf32, #tpu.memory_space<vmem>>
      %dma_wait3A_156 = arith.constant 0 : i32
      %dma_wait3A_157 = tpu.memref_slice %arg7[%add3A_149, %dma_wait3A_150, %dma_wait3A_156] : memref<32x2x100xi32, #tpu.memory_space<vmem>> -> memref<1x1x100xi32, #tpu.memory_space<vmem>>
      %dma_wait3A_158 = tpu.memref_squeeze %dma_wait3A_157 : memref<1x1x100xi32, #tpu.memory_space<vmem>> -> memref<100xi32, #tpu.memory_space<vmem>>
      %dma_wait3A_159 = arith.constant 0 : i32
      %dma_wait3A_160 = arith.constant 0 : i32
      %dma_wait3A_161 = tpu.memref_slice %arg4[%dma_wait3A_159, %dma_wait3A_160] : memref<100000x128xf32, #tpu.memory_space<hbm>> -> memref<100000x128xf32, #tpu.memory_space<hbm>>
      tpu.wait_indirect_dma semaphore(%arg13 : memref<!tpu.dma_semaphore, #tpu.memory_space<semaphore_mem>>) src(%dma_wait3A_161 : memref<100000x128xf32, #tpu.memory_space<hbm>>) dst(%dma_wait3A_155 : memref<100x128xf32, #tpu.memory_space<vmem>>)
      %mul3A_162 = arith.constant 2 : i32
      %mul3A_163 = arith.muli %mul3A_162, %scan3A_72 : i32
      %add3A_164 = arith.constant 1 : i32
      %add3A_165 = arith.addi %mul3A_163, %add3A_164 : i32
      %dma_start3A_166 = arith.constant 1 : i32
      %dma_start3A_167 = arith.constant 3 : i32
      %dma_start3A_168 = arith.constant 0 : i32
      %dma_start3A_169 = arith.constant 0 : i32
      %dma_start3A_170 = tpu.memref_slice %arg9[%dma_start3A_167, %dma_start3A_168, %dma_start3A_169] : memref<4x100x128xf32, #tpu.memory_space<vmem>> -> memref<1x100x128xf32, #tpu.memory_space<vmem>>
      %dma_start3A_171 = tpu.memref_squeeze %dma_start3A_170 : memref<1x100x128xf32, #tpu.memory_space<vmem>> -> memref<100x128xf32, #tpu.memory_space<vmem>>
      %dma_start3A_172 = arith.constant 0 : i32
      %dma_start3A_173 = tpu.memref_slice %arg7[%add3A_165, %dma_start3A_166, %dma_start3A_172] : memref<32x2x100xi32, #tpu.memory_space<vmem>> -> memref<1x1x100xi32, #tpu.memory_space<vmem>>
      %dma_start3A_174 = tpu.memref_squeeze %dma_start3A_173 : memref<1x1x100xi32, #tpu.memory_space<vmem>> -> memref<100xi32, #tpu.memory_space<vmem>>
      %dma_start3A_175 = arith.constant 0 : i32
      %dma_start3A_176 = arith.constant 0 : i32
      %dma_start3A_177 = tpu.memref_slice %arg4[%dma_start3A_175, %dma_start3A_176] : memref<100000x128xf32, #tpu.memory_space<hbm>> -> memref<100000x128xf32, #tpu.memory_space<hbm>>
      tpu.enqueue_indirect_dma source(%dma_start3A_177 : memref<100000x128xf32, #tpu.memory_space<hbm>>) target(%dma_start3A_171 : memref<100x128xf32, #tpu.memory_space<vmem>>) offsets(%dma_start3A_174 : memref<100xi32, #tpu.memory_space<vmem>>) semaphore(%arg15 : memref<!tpu.dma_semaphore, #tpu.memory_space<semaphore_mem>>)
      %get3A_178 = arith.index_cast %add3A_149 : i32 to index
      %get3A_179 = arith.constant 0 : index
      %get3A_180 = tpu.vector_load %arg11[%get3A_178, %get3A_179] {strides = array<i32>} : memref<32x128xf32, #tpu.memory_space<vmem>>, vector<1x16xf32>,
      %get3A_181 = vector.shape_cast %get3A_180 : vector<1x16xf32> to vector<16xf32>
      %get3A_182 = arith.index_cast %add3A_149 : i32 to index
      %get3A_183 = arith.constant 16 : index
      %get3A_184 = tpu.vector_load %arg11[%get3A_182, %get3A_183] {strides = array<i32>} : memref<32x128xf32, #tpu.memory_space<vmem>>, vector<1x16xf32>,
      %get3A_185 = vector.shape_cast %get3A_184 : vector<1x16xf32> to vector<16xf32>
      %get3A_186 = arith.index_cast %add3A_149 : i32 to index
      %get3A_187 = arith.constant 32 : index
      %get3A_188 = tpu.vector_load %arg11[%get3A_186, %get3A_187] {strides = array<i32>} : memref<32x128xf32, #tpu.memory_space<vmem>>, vector<1x16xf32>,
      %get3A_189 = vector.shape_cast %get3A_188 : vector<1x16xf32> to vector<16xf32>
      %get3A_190 = arith.index_cast %add3A_149 : i32 to index
      %get3A_191 = arith.constant 48 : index
      %get3A_192 = tpu.vector_load %arg11[%get3A_190, %get3A_191] {strides = array<i32>} : memref<32x128xf32, #tpu.memory_space<vmem>>, vector<1x16xf32>,
      %get3A_193 = vector.shape_cast %get3A_192 : vector<1x16xf32> to vector<16xf32>
      %get3A_194 = arith.index_cast %add3A_149 : i32 to index
      %get3A_195 = arith.constant 64 : index
      %get3A_196 = tpu.vector_load %arg11[%get3A_194, %get3A_195] {strides = array<i32>} : memref<32x128xf32, #tpu.memory_space<vmem>>, vector<1x16xf32>,
      %get3A_197 = vector.shape_cast %get3A_196 : vector<1x16xf32> to vector<16xf32>
      %get3A_198 = arith.index_cast %add3A_149 : i32 to index
      %get3A_199 = arith.constant 80 : index
      %get3A_200 = tpu.vector_load %arg11[%get3A_198, %get3A_199] {strides = array<i32>} : memref<32x128xf32, #tpu.memory_space<vmem>>, vector<1x16xf32>,
      %get3A_201 = vector.shape_cast %get3A_200 : vector<1x16xf32> to vector<16xf32>
      %get3A_202 = arith.index_cast %add3A_149 : i32 to index
      %get3A_203 = arith.constant 96 : index
      %get3A_204 = tpu.vector_load %arg11[%get3A_202, %get3A_203] {strides = array<i32>} : memref<32x128xf32, #tpu.memory_space<vmem>>, vector<1x16xf32>,
      %get3A_205 = vector.shape_cast %get3A_204 : vector<1x16xf32> to vector<16xf32>
      %get3A_206 = arith.index_cast %add3A_149 : i32 to index
      %get3A_207 = arith.constant 112 : index
      %get3A_208 = tpu.vector_load %arg11[%get3A_206, %get3A_207] {strides = array<i32>} : memref<32x128xf32, #tpu.memory_space<vmem>>, vector<1x16xf32>,
      %get3A_209 = vector.shape_cast %get3A_208 : vector<1x16xf32> to vector<16xf32>
      %scan3A_210 = arith.constant 0 : i32
      %scan3A_211 = arith.constant 1 : i32
      %scan3A_212 = arith.constant 0 : i32
      %scan3A_213 = arith.constant 0 : i32
      %scan3A_214 = arith.constant 100 : i32
      %scan3A_215 = arith.addi %scan3A_213, %scan3A_214 : i32
      %scan3A_216 = arith.constant 1 : i32
      scf.for %scan3A_388 = %scan3A_213 to %scan3A_215 step %scan3A_216  : i32 {
        %add3A_389 = arith.constant 100 : i32
        %add3A_390 = arith.addi %add3A_389, %scan3A_388 : i32
        %get3A_391 = arith.constant 0 : i32
        %get3A_392 = arith.constant 0 : i32
        %get3A_393 = tpu.memref_slice %arg9[%scan3A_211, %get3A_391, %get3A_392] : memref<4x100x128xf32, #tpu.memory_space<vmem>> -> memref<1x100x128xf32, #tpu.memory_space<vmem>>
        %get3A_394 = tpu.memref_squeeze %get3A_393 : memref<1x100x128xf32, #tpu.memory_space<vmem>> -> memref<100x128xf32, #tpu.memory_space<vmem>>
        %get3A_395 = arith.index_cast %scan3A_388 : i32 to index
        %get3A_396 = arith.constant 0 : index
        %get3A_397 = tpu.vector_load %get3A_394[%get3A_395, %get3A_396] {strides = array<i32>} : memref<100x128xf32, #tpu.memory_space<vmem>>, vector<1x16xf32>,
        %get3A_398 = vector.shape_cast %get3A_397 : vector<1x16xf32> to vector<16xf32>
        %add3A_399 = arith.addf %get3A_398, %get3A_181 : vector<16xf32>
        %swap3A = arith.constant 0 : i32
        %swap3A_400 = arith.constant 0 : i32
        %swap3A_401 = tpu.memref_slice %arg10[%scan3A_212, %swap3A, %swap3A_400] : memref<2x200x128xf32, #tpu.memory_space<vmem>> -> memref<1x200x128xf32, #tpu.memory_space<vmem>>
        %swap3A_402 = tpu.memref_squeeze %swap3A_401 : memref<1x200x128xf32, #tpu.memory_space<vmem>> -> memref<200x128xf32, #tpu.memory_space<vmem>>
        %swap3A_403 = arith.index_cast %add3A_390 : i32 to index
        %swap3A_404 = arith.constant 0 : index
        %swap3A_405 = tpu.vector_load %swap3A_402[%swap3A_403, %swap3A_404] {strides = array<i32>} : memref<200x128xf32, #tpu.memory_space<vmem>>, vector<1x16xf32>,
        %swap3A_406 = vector.shape_cast %swap3A_405 : vector<1x16xf32> to vector<16xf32>
        %swap3A_407 = vector.shape_cast %add3A_399 : vector<16xf32> to vector<1x16xf32>
        tpu.vector_store %swap3A_402[%swap3A_403, %swap3A_404], %swap3A_407 {strides = array<i32>} : memref<200x128xf32, #tpu.memory_space<vmem>>, vector<1x16xf32>,
        %get3A_408 = arith.constant 0 : i32
        %get3A_409 = arith.constant 0 : i32
        %get3A_410 = tpu.memref_slice %arg9[%scan3A_211, %get3A_408, %get3A_409] : memref<4x100x128xf32, #tpu.memory_space<vmem>> -> memref<1x100x128xf32, #tpu.memory_space<vmem>>
        %get3A_411 = tpu.memref_squeeze %get3A_410 : memref<1x100x128xf32, #tpu.memory_space<vmem>> -> memref<100x128xf32, #tpu.memory_space<vmem>>
        %get3A_412 = arith.index_cast %scan3A_388 : i32 to index
        %get3A_413 = arith.constant 16 : index
        %get3A_414 = tpu.vector_load %get3A_411[%get3A_412, %get3A_413] {strides = array<i32>} : memref<100x128xf32, #tpu.memory_space<vmem>>, vector<1x16xf32>,
        %get3A_415 = vector.shape_cast %get3A_414 : vector<1x16xf32> to vector<16xf32>
        %add3A_416 = arith.addf %get3A_415, %get3A_185 : vector<16xf32>
        %swap3A_417 = arith.constant 0 : i32
        %swap3A_418 = arith.constant 0 : i32
        %swap3A_419 = tpu.memref_slice %arg10[%scan3A_212, %swap3A_417, %swap3A_418] : memref<2x200x128xf32, #tpu.memory_space<vmem>> -> memref<1x200x128xf32, #tpu.memory_space<vmem>>
        %swap3A_420 = tpu.memref_squeeze %swap3A_419 : memref<1x200x128xf32, #tpu.memory_space<vmem>> -> memref<200x128xf32, #tpu.memory_space<vmem>>
        %swap3A_421 = arith.index_cast %add3A_390 : i32 to index
        %swap3A_422 = arith.constant 16 : index
        %swap3A_423 = tpu.vector_load %swap3A_420[%swap3A_421, %swap3A_422] {strides = array<i32>} : memref<200x128xf32, #tpu.memory_space<vmem>>, vector<1x16xf32>,
        %swap3A_424 = vector.shape_cast %swap3A_423 : vector<1x16xf32> to vector<16xf32>
        %swap3A_425 = vector.shape_cast %add3A_416 : vector<16xf32> to vector<1x16xf32>
        tpu.vector_store %swap3A_420[%swap3A_421, %swap3A_422], %swap3A_425 {strides = array<i32>} : memref<200x128xf32, #tpu.memory_space<vmem>>, vector<1x16xf32>,
        %get3A_426 = arith.constant 0 : i32
        %get3A_427 = arith.constant 0 : i32
        %get3A_428 = tpu.memref_slice %arg9[%scan3A_211, %get3A_426, %get3A_427] : memref<4x100x128xf32, #tpu.memory_space<vmem>> -> memref<1x100x128xf32, #tpu.memory_space<vmem>>
        %get3A_429 = tpu.memref_squeeze %get3A_428 : memref<1x100x128xf32, #tpu.memory_space<vmem>> -> memref<100x128xf32, #tpu.memory_space<vmem>>
        %get3A_430 = arith.index_cast %scan3A_388 : i32 to index
        %get3A_431 = arith.constant 32 : index
        %get3A_432 = tpu.vector_load %get3A_429[%get3A_430, %get3A_431] {strides = array<i32>} : memref<100x128xf32, #tpu.memory_space<vmem>>, vector<1x16xf32>,
        %get3A_433 = vector.shape_cast %get3A_432 : vector<1x16xf32> to vector<16xf32>
        %add3A_434 = arith.addf %get3A_433, %get3A_189 : vector<16xf32>
        %swap3A_435 = arith.constant 0 : i32
        %swap3A_436 = arith.constant 0 : i32
        %swap3A_437 = tpu.memref_slice %arg10[%scan3A_212, %swap3A_435, %swap3A_436] : memref<2x200x128xf32, #tpu.memory_space<vmem>> -> memref<1x200x128xf32, #tpu.memory_space<vmem>>
        %swap3A_438 = tpu.memref_squeeze %swap3A_437 : memref<1x200x128xf32, #tpu.memory_space<vmem>> -> memref<200x128xf32, #tpu.memory_space<vmem>>
        %swap3A_439 = arith.index_cast %add3A_390 : i32 to index
        %swap3A_440 = arith.constant 32 : index
        %swap3A_441 = tpu.vector_load %swap3A_438[%swap3A_439, %swap3A_440] {strides = array<i32>} : memref<200x128xf32, #tpu.memory_space<vmem>>, vector<1x16xf32>,
        %swap3A_442 = vector.shape_cast %swap3A_441 : vector<1x16xf32> to vector<16xf32>
        %swap3A_443 = vector.shape_cast %add3A_434 : vector<16xf32> to vector<1x16xf32>
        tpu.vector_store %swap3A_438[%swap3A_439, %swap3A_440], %swap3A_443 {strides = array<i32>} : memref<200x128xf32, #tpu.memory_space<vmem>>, vector<1x16xf32>,
        %get3A_444 = arith.constant 0 : i32
        %get3A_445 = arith.constant 0 : i32
        %get3A_446 = tpu.memref_slice %arg9[%scan3A_211, %get3A_444, %get3A_445] : memref<4x100x128xf32, #tpu.memory_space<vmem>> -> memref<1x100x128xf32, #tpu.memory_space<vmem>>
        %get3A_447 = tpu.memref_squeeze %get3A_446 : memref<1x100x128xf32, #tpu.memory_space<vmem>> -> memref<100x128xf32, #tpu.memory_space<vmem>>
        %get3A_448 = arith.index_cast %scan3A_388 : i32 to index
        %get3A_449 = arith.constant 48 : index
        %get3A_450 = tpu.vector_load %get3A_447[%get3A_448, %get3A_449] {strides = array<i32>} : memref<100x128xf32, #tpu.memory_space<vmem>>, vector<1x16xf32>,
        %get3A_451 = vector.shape_cast %get3A_450 : vector<1x16xf32> to vector<16xf32>
        %add3A_452 = arith.addf %get3A_451, %get3A_193 : vector<16xf32>
        %swap3A_453 = arith.constant 0 : i32
        %swap3A_454 = arith.constant 0 : i32
        %swap3A_455 = tpu.memref_slice %arg10[%scan3A_212, %swap3A_453, %swap3A_454] : memref<2x200x128xf32, #tpu.memory_space<vmem>> -> memref<1x200x128xf32, #tpu.memory_space<vmem>>
        %swap3A_456 = tpu.memref_squeeze %swap3A_455 : memref<1x200x128xf32, #tpu.memory_space<vmem>> -> memref<200x128xf32, #tpu.memory_space<vmem>>
        %swap3A_457 = arith.index_cast %add3A_390 : i32 to index
        %swap3A_458 = arith.constant 48 : index
        %swap3A_459 = tpu.vector_load %swap3A_456[%swap3A_457, %swap3A_458] {strides = array<i32>} : memref<200x128xf32, #tpu.memory_space<vmem>>, vector<1x16xf32>,
        %swap3A_460 = vector.shape_cast %swap3A_459 : vector<1x16xf32> to vector<16xf32>
        %swap3A_461 = vector.shape_cast %add3A_452 : vector<16xf32> to vector<1x16xf32>
        tpu.vector_store %swap3A_456[%swap3A_457, %swap3A_458], %swap3A_461 {strides = array<i32>} : memref<200x128xf32, #tpu.memory_space<vmem>>, vector<1x16xf32>,
        %get3A_462 = arith.constant 0 : i32
        %get3A_463 = arith.constant 0 : i32
        %get3A_464 = tpu.memref_slice %arg9[%scan3A_211, %get3A_462, %get3A_463] : memref<4x100x128xf32, #tpu.memory_space<vmem>> -> memref<1x100x128xf32, #tpu.memory_space<vmem>>
        %get3A_465 = tpu.memref_squeeze %get3A_464 : memref<1x100x128xf32, #tpu.memory_space<vmem>> -> memref<100x128xf32, #tpu.memory_space<vmem>>
        %get3A_466 = arith.index_cast %scan3A_388 : i32 to index
        %get3A_467 = arith.constant 64 : index
        %get3A_468 = tpu.vector_load %get3A_465[%get3A_466, %get3A_467] {strides = array<i32>} : memref<100x128xf32, #tpu.memory_space<vmem>>, vector<1x16xf32>,
        %get3A_469 = vector.shape_cast %get3A_468 : vector<1x16xf32> to vector<16xf32>
        %add3A_470 = arith.addf %get3A_469, %get3A_197 : vector<16xf32>
        %swap3A_471 = arith.constant 0 : i32
        %swap3A_472 = arith.constant 0 : i32
        %swap3A_473 = tpu.memref_slice %arg10[%scan3A_212, %swap3A_471, %swap3A_472] : memref<2x200x128xf32, #tpu.memory_space<vmem>> -> memref<1x200x128xf32, #tpu.memory_space<vmem>>
        %swap3A_474 = tpu.memref_squeeze %swap3A_473 : memref<1x200x128xf32, #tpu.memory_space<vmem>> -> memref<200x128xf32, #tpu.memory_space<vmem>>
        %swap3A_475 = arith.index_cast %add3A_390 : i32 to index
        %swap3A_476 = arith.constant 64 : index
        %swap3A_477 = tpu.vector_load %swap3A_474[%swap3A_475, %swap3A_476] {strides = array<i32>} : memref<200x128xf32, #tpu.memory_space<vmem>>, vector<1x16xf32>,
        %swap3A_478 = vector.shape_cast %swap3A_477 : vector<1x16xf32> to vector<16xf32>
        %swap3A_479 = vector.shape_cast %add3A_470 : vector<16xf32> to vector<1x16xf32>
        tpu.vector_store %swap3A_474[%swap3A_475, %swap3A_476], %swap3A_479 {strides = array<i32>} : memref<200x128xf32, #tpu.memory_space<vmem>>, vector<1x16xf32>,
        %get3A_480 = arith.constant 0 : i32
        %get3A_481 = arith.constant 0 : i32
        %get3A_482 = tpu.memref_slice %arg9[%scan3A_211, %get3A_480, %get3A_481] : memref<4x100x128xf32, #tpu.memory_space<vmem>> -> memref<1x100x128xf32, #tpu.memory_space<vmem>>
        %get3A_483 = tpu.memref_squeeze %get3A_482 : memref<1x100x128xf32, #tpu.memory_space<vmem>> -> memref<100x128xf32, #tpu.memory_space<vmem>>
        %get3A_484 = arith.index_cast %scan3A_388 : i32 to index
        %get3A_485 = arith.constant 80 : index
        %get3A_486 = tpu.vector_load %get3A_483[%get3A_484, %get3A_485] {strides = array<i32>} : memref<100x128xf32, #tpu.memory_space<vmem>>, vector<1x16xf32>,
        %get3A_487 = vector.shape_cast %get3A_486 : vector<1x16xf32> to vector<16xf32>
        %add3A_488 = arith.addf %get3A_487, %get3A_201 : vector<16xf32>
        %swap3A_489 = arith.constant 0 : i32
        %swap3A_490 = arith.constant 0 : i32
        %swap3A_491 = tpu.memref_slice %arg10[%scan3A_212, %swap3A_489, %swap3A_490] : memref<2x200x128xf32, #tpu.memory_space<vmem>> -> memref<1x200x128xf32, #tpu.memory_space<vmem>>
        %swap3A_492 = tpu.memref_squeeze %swap3A_491 : memref<1x200x128xf32, #tpu.memory_space<vmem>> -> memref<200x128xf32, #tpu.memory_space<vmem>>
        %swap3A_493 = arith.index_cast %add3A_390 : i32 to index
        %swap3A_494 = arith.constant 80 : index
        %swap3A_495 = tpu.vector_load %swap3A_492[%swap3A_493, %swap3A_494] {strides = array<i32>} : memref<200x128xf32, #tpu.memory_space<vmem>>, vector<1x16xf32>,
        %swap3A_496 = vector.shape_cast %swap3A_495 : vector<1x16xf32> to vector<16xf32>
        %swap3A_497 = vector.shape_cast %add3A_488 : vector<16xf32> to vector<1x16xf32>
        tpu.vector_store %swap3A_492[%swap3A_493, %swap3A_494], %swap3A_497 {strides = array<i32>} : memref<200x128xf32, #tpu.memory_space<vmem>>, vector<1x16xf32>,
        %get3A_498 = arith.constant 0 : i32
        %get3A_499 = arith.constant 0 : i32
        %get3A_500 = tpu.memref_slice %arg9[%scan3A_211, %get3A_498, %get3A_499] : memref<4x100x128xf32, #tpu.memory_space<vmem>> -> memref<1x100x128xf32, #tpu.memory_space<vmem>>
        %get3A_501 = tpu.memref_squeeze %get3A_500 : memref<1x100x128xf32, #tpu.memory_space<vmem>> -> memref<100x128xf32, #tpu.memory_space<vmem>>
        %get3A_502 = arith.index_cast %scan3A_388 : i32 to index
        %get3A_503 = arith.constant 96 : index
        %get3A_504 = tpu.vector_load %get3A_501[%get3A_502, %get3A_503] {strides = array<i32>} : memref<100x128xf32, #tpu.memory_space<vmem>>, vector<1x16xf32>,
        %get3A_505 = vector.shape_cast %get3A_504 : vector<1x16xf32> to vector<16xf32>
        %add3A_506 = arith.addf %get3A_505, %get3A_205 : vector<16xf32>
        %swap3A_507 = arith.constant 0 : i32
        %swap3A_508 = arith.constant 0 : i32
        %swap3A_509 = tpu.memref_slice %arg10[%scan3A_212, %swap3A_507, %swap3A_508] : memref<2x200x128xf32, #tpu.memory_space<vmem>> -> memref<1x200x128xf32, #tpu.memory_space<vmem>>
        %swap3A_510 = tpu.memref_squeeze %swap3A_509 : memref<1x200x128xf32, #tpu.memory_space<vmem>> -> memref<200x128xf32, #tpu.memory_space<vmem>>
        %swap3A_511 = arith.index_cast %add3A_390 : i32 to index
        %swap3A_512 = arith.constant 96 : index
        %swap3A_513 = tpu.vector_load %swap3A_510[%swap3A_511, %swap3A_512] {strides = array<i32>} : memref<200x128xf32, #tpu.memory_space<vmem>>, vector<1x16xf32>,
        %swap3A_514 = vector.shape_cast %swap3A_513 : vector<1x16xf32> to vector<16xf32>
        %swap3A_515 = vector.shape_cast %add3A_506 : vector<16xf32> to vector<1x16xf32>
        tpu.vector_store %swap3A_510[%swap3A_511, %swap3A_512], %swap3A_515 {strides = array<i32>} : memref<200x128xf32, #tpu.memory_space<vmem>>, vector<1x16xf32>,
        %get3A_516 = arith.constant 0 : i32
        %get3A_517 = arith.constant 0 : i32
        %get3A_518 = tpu.memref_slice %arg9[%scan3A_211, %get3A_516, %get3A_517] : memref<4x100x128xf32, #tpu.memory_space<vmem>> -> memref<1x100x128xf32, #tpu.memory_space<vmem>>
        %get3A_519 = tpu.memref_squeeze %get3A_518 : memref<1x100x128xf32, #tpu.memory_space<vmem>> -> memref<100x128xf32, #tpu.memory_space<vmem>>
        %get3A_520 = arith.index_cast %scan3A_388 : i32 to index
        %get3A_521 = arith.constant 112 : index
        %get3A_522 = tpu.vector_load %get3A_519[%get3A_520, %get3A_521] {strides = array<i32>} : memref<100x128xf32, #tpu.memory_space<vmem>>, vector<1x16xf32>,
        %get3A_523 = vector.shape_cast %get3A_522 : vector<1x16xf32> to vector<16xf32>
        %add3A_524 = arith.addf %get3A_523, %get3A_209 : vector<16xf32>
        %swap3A_525 = arith.constant 0 : i32
        %swap3A_526 = arith.constant 0 : i32
        %swap3A_527 = tpu.memref_slice %arg10[%scan3A_212, %swap3A_525, %swap3A_526] : memref<2x200x128xf32, #tpu.memory_space<vmem>> -> memref<1x200x128xf32, #tpu.memory_space<vmem>>
        %swap3A_528 = tpu.memref_squeeze %swap3A_527 : memref<1x200x128xf32, #tpu.memory_space<vmem>> -> memref<200x128xf32, #tpu.memory_space<vmem>>
        %swap3A_529 = arith.index_cast %add3A_390 : i32 to index
        %swap3A_530 = arith.constant 112 : index
        %swap3A_531 = tpu.vector_load %swap3A_528[%swap3A_529, %swap3A_530] {strides = array<i32>} : memref<200x128xf32, #tpu.memory_space<vmem>>, vector<1x16xf32>,
        %swap3A_532 = vector.shape_cast %swap3A_531 : vector<1x16xf32> to vector<16xf32>
        %swap3A_533 = vector.shape_cast %add3A_524 : vector<16xf32> to vector<1x16xf32>
        tpu.vector_store %swap3A_528[%swap3A_529, %swap3A_530], %swap3A_533 {strides = array<i32>} : memref<200x128xf32, #tpu.memory_space<vmem>>, vector<1x16xf32>,
      }
      %scan3A_217 = arith.constant 100 : i32
      %add3A_218 = arith.addi %mul3A_2, %add3A_149 : i32
      %dma_start3A_219 = arith.constant 0 : i32
      %dma_start3A_220 = arith.constant 0 : i32
      %dma_start3A_221 = arith.constant 0 : i32
      %dma_start3A_222 = tpu.memref_slice %arg10[%dma_start3A_219, %dma_start3A_220, %dma_start3A_221] : memref<2x200x128xf32, #tpu.memory_space<vmem>> -> memref<1x200x128xf32, #tpu.memory_space<vmem>>
      %dma_start3A_223 = tpu.memref_squeeze %dma_start3A_222 : memref<1x200x128xf32, #tpu.memory_space<vmem>> -> memref<200x128xf32, #tpu.memory_space<vmem>>
      %dma_start3A_224 = arith.constant 0 : i32
      %dma_start3A_225 = arith.constant 0 : i32
      %dma_start3A_226 = tpu.memref_slice %arg6[%add3A_218, %dma_start3A_224, %dma_start3A_225] : memref<1024x200x128xf32, #tpu.memory_space<hbm>> -> memref<1x200x128xf32, #tpu.memory_space<hbm>>
      %dma_start3A_227 = tpu.memref_squeeze %dma_start3A_226 : memref<1x200x128xf32, #tpu.memory_space<hbm>> -> memref<200x128xf32, #tpu.memory_space<hbm>>
      %dma_start3A_228 = arith.constant 0 : i32
      %dma_start3A_229 = arith.constant 0 : i32
      %dma_start3A_230 = tpu.memref_slice %arg6[%add3A_218, %dma_start3A_228, %dma_start3A_229] : memref<1024x200x128xf32, #tpu.memory_space<hbm>> -> memref<1x200x128xf32, #tpu.memory_space<hbm>>
      %dma_start3A_231 = tpu.memref_squeeze %dma_start3A_230 : memref<1x200x128xf32, #tpu.memory_space<hbm>> -> memref<200x128xf32, #tpu.memory_space<hbm>>
      %dma_start3A_232 = arith.constant 0 : i32
      %dma_start3A_233 = arith.constant 0 : i32
      %dma_start3A_234 = tpu.memref_slice %arg10[%dma_start3A_219, %dma_start3A_232, %dma_start3A_233] : memref<2x200x128xf32, #tpu.memory_space<vmem>> -> memref<1x200x128xf32, #tpu.memory_space<vmem>>
      %dma_start3A_235 = tpu.memref_squeeze %dma_start3A_234 : memref<1x200x128xf32, #tpu.memory_space<vmem>> -> memref<200x128xf32, #tpu.memory_space<vmem>>
      tpu.enqueue_dma source(%dma_start3A_235 : memref<200x128xf32, #tpu.memory_space<vmem>>) target(%dma_start3A_231 : memref<200x128xf32, #tpu.memory_space<hbm>>) target_semaphore(%arg16 : memref<!tpu.dma_semaphore, #tpu.memory_space<semaphore_mem>>)
      %mul3A_236 = arith.constant 2 : i32
      %mul3A_237 = arith.muli %mul3A_236, %scan3A_72 : i32
      %add3A_238 = arith.constant 1 : i32
      %add3A_239 = arith.addi %mul3A_237, %add3A_238 : i32
      %dma_wait3A_240 = arith.constant 0 : i32
      %dma_wait3A_241 = arith.constant 2 : i32
      %dma_wait3A_242 = arith.constant 0 : i32
      %dma_wait3A_243 = arith.constant 0 : i32
      %dma_wait3A_244 = tpu.memref_slice %arg9[%dma_wait3A_241, %dma_wait3A_242, %dma_wait3A_243] : memref<4x100x128xf32, #tpu.memory_space<vmem>> -> memref<1x100x128xf32, #tpu.memory_space<vmem>>
      %dma_wait3A_245 = tpu.memref_squeeze %dma_wait3A_244 : memref<1x100x128xf32, #tpu.memory_space<vmem>> -> memref<100x128xf32, #tpu.memory_space<vmem>>
      %dma_wait3A_246 = arith.constant 0 : i32
      %dma_wait3A_247 = tpu.memref_slice %arg7[%add3A_239, %dma_wait3A_240, %dma_wait3A_246] : memref<32x2x100xi32, #tpu.memory_space<vmem>> -> memref<1x1x100xi32, #tpu.memory_space<vmem>>
      %dma_wait3A_248 = tpu.memref_squeeze %dma_wait3A_247 : memref<1x1x100xi32, #tpu.memory_space<vmem>> -> memref<100xi32, #tpu.memory_space<vmem>>
      %dma_wait3A_249 = arith.constant 0 : i32
      %dma_wait3A_250 = arith.constant 0 : i32
      %dma_wait3A_251 = tpu.memref_slice %arg4[%dma_wait3A_249, %dma_wait3A_250] : memref<100000x128xf32, #tpu.memory_space<hbm>> -> memref<100000x128xf32, #tpu.memory_space<hbm>>
      tpu.wait_indirect_dma semaphore(%arg14 : memref<!tpu.dma_semaphore, #tpu.memory_space<semaphore_mem>>) src(%dma_wait3A_251 : memref<100000x128xf32, #tpu.memory_space<hbm>>) dst(%dma_wait3A_245 : memref<100x128xf32, #tpu.memory_space<vmem>>)
      %mul3A_252 = arith.constant 2 : i32
      %mul3A_253 = arith.muli %mul3A_252, %scan3A_72 : i32
      %add3A_254 = arith.constant 2 : i32
      %add3A_255 = arith.addi %mul3A_253, %add3A_254 : i32
      %lt3A = arith.constant 15 : i32
      %lt3A_256 = arith.cmpi slt, %scan3A_72, %lt3A : i32
      %convert_element_type3A_257 = arith.extui %lt3A_256 : i1 to i32
      %cond3A_258 = arith.constant 0 : i32
      %cond3A_259 = arith.cmpi ne, %convert_element_type3A_257, %cond3A_258 : i32
      scf.if %cond3A_259 {
        %dma_start3A_388 = arith.constant 0 : i32
        %dma_start3A_389 = arith.constant 0 : i32
        %dma_start3A_390 = arith.constant 0 : i32
        %dma_start3A_391 = arith.constant 0 : i32
        %dma_start3A_392 = tpu.memref_slice %arg9[%dma_start3A_389, %dma_start3A_390, %dma_start3A_391] : memref<4x100x128xf32, #tpu.memory_space<vmem>> -> memref<1x100x128xf32, #tpu.memory_space<vmem>>
        %dma_start3A_393 = tpu.memref_squeeze %dma_start3A_392 : memref<1x100x128xf32, #tpu.memory_space<vmem>> -> memref<100x128xf32, #tpu.memory_space<vmem>>
        %dma_start3A_394 = arith.constant 0 : i32
        %dma_start3A_395 = tpu.memref_slice %arg7[%add3A_255, %dma_start3A_388, %dma_start3A_394] : memref<32x2x100xi32, #tpu.memory_space<vmem>> -> memref<1x1x100xi32, #tpu.memory_space<vmem>>
        %dma_start3A_396 = tpu.memref_squeeze %dma_start3A_395 : memref<1x1x100xi32, #tpu.memory_space<vmem>> -> memref<100xi32, #tpu.memory_space<vmem>>
        %dma_start3A_397 = arith.constant 0 : i32
        %dma_start3A_398 = arith.constant 0 : i32
        %dma_start3A_399 = tpu.memref_slice %arg4[%dma_start3A_397, %dma_start3A_398] : memref<100000x128xf32, #tpu.memory_space<hbm>> -> memref<100000x128xf32, #tpu.memory_space<hbm>>
        tpu.enqueue_indirect_dma source(%dma_start3A_399 : memref<100000x128xf32, #tpu.memory_space<hbm>>) target(%dma_start3A_393 : memref<100x128xf32, #tpu.memory_space<vmem>>) offsets(%dma_start3A_396 : memref<100xi32, #tpu.memory_space<vmem>>) semaphore(%arg12 : memref<!tpu.dma_semaphore, #tpu.memory_space<semaphore_mem>>)
      } else {
      }
      %ge3A_260 = arith.constant 1 : i32
      %ge3A_261 = arith.cmpi sge, %scan3A_72, %ge3A_260 : i32
      %convert_element_type3A_262 = arith.extui %ge3A_261 : i1 to i32
      %cond3A_263 = arith.constant 0 : i32
      %cond3A_264 = arith.cmpi ne, %convert_element_type3A_262, %cond3A_263 : i32
      scf.if %cond3A_264 {
        %dma_wait3A_388 = arith.constant 1 : i32
        %dma_wait3A_389 = arith.constant 0 : i32
        %dma_wait3A_390 = arith.constant 0 : i32
        %dma_wait3A_391 = tpu.memref_slice %arg10[%dma_wait3A_388, %dma_wait3A_389, %dma_wait3A_390] : memref<2x200x128xf32, #tpu.memory_space<vmem>> -> memref<1x200x128xf32, #tpu.memory_space<vmem>>
        %dma_wait3A_392 = tpu.memref_squeeze %dma_wait3A_391 : memref<1x200x128xf32, #tpu.memory_space<vmem>> -> memref<200x128xf32, #tpu.memory_space<vmem>>
        %dma_wait3A_393 = arith.constant 0 : i32
        %dma_wait3A_394 = arith.constant 0 : i32
        %dma_wait3A_395 = tpu.memref_slice %arg6[%mul3A_2, %dma_wait3A_393, %dma_wait3A_394] : memref<1024x200x128xf32, #tpu.memory_space<hbm>> -> memref<1x200x128xf32, #tpu.memory_space<hbm>>
        %dma_wait3A_396 = tpu.memref_squeeze %dma_wait3A_395 : memref<1x200x128xf32, #tpu.memory_space<hbm>> -> memref<200x128xf32, #tpu.memory_space<hbm>>
        %dma_wait3A_397 = arith.constant 0 : i32
        %dma_wait3A_398 = arith.constant 0 : i32
        %dma_wait3A_399 = tpu.memref_slice %arg6[%mul3A_2, %dma_wait3A_397, %dma_wait3A_398] : memref<1024x200x128xf32, #tpu.memory_space<hbm>> -> memref<1x200x128xf32, #tpu.memory_space<hbm>>
        %dma_wait3A_400 = tpu.memref_squeeze %dma_wait3A_399 : memref<1x200x128xf32, #tpu.memory_space<hbm>> -> memref<200x128xf32, #tpu.memory_space<hbm>>
        %dma_wait3A_401 = arith.constant 0 : i32
        %dma_wait3A_402 = arith.constant 0 : i32
        %dma_wait3A_403 = tpu.memref_slice %arg10[%dma_wait3A_388, %dma_wait3A_401, %dma_wait3A_402] : memref<2x200x128xf32, #tpu.memory_space<vmem>> -> memref<1x200x128xf32, #tpu.memory_space<vmem>>
        %dma_wait3A_404 = tpu.memref_squeeze %dma_wait3A_403 : memref<1x200x128xf32, #tpu.memory_space<vmem>> -> memref<200x128xf32, #tpu.memory_space<vmem>>
        tpu.wait_dma2 semaphore(%arg17 : memref<!tpu.dma_semaphore, #tpu.memory_space<semaphore_mem>>) src(%dma_wait3A_404 : memref<200x128xf32, #tpu.memory_space<vmem>>) dst(%dma_wait3A_400 : memref<200x128xf32, #tpu.memory_space<hbm>>)
      } else {
      }
      %get3A_265 = arith.index_cast %add3A_239 : i32 to index
      %get3A_266 = arith.constant 0 : index
      %get3A_267 = tpu.vector_load %arg11[%get3A_265, %get3A_266] {strides = array<i32>} : memref<32x128xf32, #tpu.memory_space<vmem>>, vector<1x16xf32>,
      %get3A_268 = vector.shape_cast %get3A_267 : vector<1x16xf32> to vector<16xf32>
      %get3A_269 = arith.index_cast %add3A_239 : i32 to index
      %get3A_270 = arith.constant 16 : index
      %get3A_271 = tpu.vector_load %arg11[%get3A_269, %get3A_270] {strides = array<i32>} : memref<32x128xf32, #tpu.memory_space<vmem>>, vector<1x16xf32>,
      %get3A_272 = vector.shape_cast %get3A_271 : vector<1x16xf32> to vector<16xf32>
      %get3A_273 = arith.index_cast %add3A_239 : i32 to index
      %get3A_274 = arith.constant 32 : index
      %get3A_275 = tpu.vector_load %arg11[%get3A_273, %get3A_274] {strides = array<i32>} : memref<32x128xf32, #tpu.memory_space<vmem>>, vector<1x16xf32>,
      %get3A_276 = vector.shape_cast %get3A_275 : vector<1x16xf32> to vector<16xf32>
      %get3A_277 = arith.index_cast %add3A_239 : i32 to index
      %get3A_278 = arith.constant 48 : index
      %get3A_279 = tpu.vector_load %arg11[%get3A_277, %get3A_278] {strides = array<i32>} : memref<32x128xf32, #tpu.memory_space<vmem>>, vector<1x16xf32>,
      %get3A_280 = vector.shape_cast %get3A_279 : vector<1x16xf32> to vector<16xf32>
      %get3A_281 = arith.index_cast %add3A_239 : i32 to index
      %get3A_282 = arith.constant 64 : index
      %get3A_283 = tpu.vector_load %arg11[%get3A_281, %get3A_282] {strides = array<i32>} : memref<32x128xf32, #tpu.memory_space<vmem>>, vector<1x16xf32>,
      %get3A_284 = vector.shape_cast %get3A_283 : vector<1x16xf32> to vector<16xf32>
      %get3A_285 = arith.index_cast %add3A_239 : i32 to index
      %get3A_286 = arith.constant 80 : index
      %get3A_287 = tpu.vector_load %arg11[%get3A_285, %get3A_286] {strides = array<i32>} : memref<32x128xf32, #tpu.memory_space<vmem>>, vector<1x16xf32>,
      %get3A_288 = vector.shape_cast %get3A_287 : vector<1x16xf32> to vector<16xf32>
      %get3A_289 = arith.index_cast %add3A_239 : i32 to index
      %get3A_290 = arith.constant 96 : index
      %get3A_291 = tpu.vector_load %arg11[%get3A_289, %get3A_290] {strides = array<i32>} : memref<32x128xf32, #tpu.memory_space<vmem>>, vector<1x16xf32>,
      %get3A_292 = vector.shape_cast %get3A_291 : vector<1x16xf32> to vector<16xf32>
      %get3A_293 = arith.index_cast %add3A_239 : i32 to index
      %get3A_294 = arith.constant 112 : index
      %get3A_295 = tpu.vector_load %arg11[%get3A_293, %get3A_294] {strides = array<i32>} : memref<32x128xf32, #tpu.memory_space<vmem>>, vector<1x16xf32>,
      %get3A_296 = vector.shape_cast %get3A_295 : vector<1x16xf32> to vector<16xf32>
      %scan3A_297 = arith.constant 0 : i32
      %scan3A_298 = arith.constant 2 : i32
      %scan3A_299 = arith.constant 1 : i32
      %scan3A_300 = arith.constant 0 : i32
      %scan3A_301 = arith.constant 100 : i32
      %scan3A_302 = arith.addi %scan3A_300, %scan3A_301 : i32
      %scan3A_303 = arith.constant 1 : i32
      scf.for %scan3A_388 = %scan3A_300 to %scan3A_302 step %scan3A_303  : i32 {
        %add3A_389 = arith.constant 0 : i32
        %add3A_390 = arith.addi %add3A_389, %scan3A_388 : i32
        %get3A_391 = arith.constant 0 : i32
        %get3A_392 = arith.constant 0 : i32
        %get3A_393 = tpu.memref_slice %arg9[%scan3A_298, %get3A_391, %get3A_392] : memref<4x100x128xf32, #tpu.memory_space<vmem>> -> memref<1x100x128xf32, #tpu.memory_space<vmem>>
        %get3A_394 = tpu.memref_squeeze %get3A_393 : memref<1x100x128xf32, #tpu.memory_space<vmem>> -> memref<100x128xf32, #tpu.memory_space<vmem>>
        %get3A_395 = arith.index_cast %scan3A_388 : i32 to index
        %get3A_396 = arith.constant 0 : index
        %get3A_397 = tpu.vector_load %get3A_394[%get3A_395, %get3A_396] {strides = array<i32>} : memref<100x128xf32, #tpu.memory_space<vmem>>, vector<1x16xf32>,
        %get3A_398 = vector.shape_cast %get3A_397 : vector<1x16xf32> to vector<16xf32>
        %add3A_399 = arith.addf %get3A_398, %get3A_268 : vector<16xf32>
        %swap3A = arith.constant 0 : i32
        %swap3A_400 = arith.constant 0 : i32
        %swap3A_401 = tpu.memref_slice %arg10[%scan3A_299, %swap3A, %swap3A_400] : memref<2x200x128xf32, #tpu.memory_space<vmem>> -> memref<1x200x128xf32, #tpu.memory_space<vmem>>
        %swap3A_402 = tpu.memref_squeeze %swap3A_401 : memref<1x200x128xf32, #tpu.memory_space<vmem>> -> memref<200x128xf32, #tpu.memory_space<vmem>>
        %swap3A_403 = arith.index_cast %add3A_390 : i32 to index
        %swap3A_404 = arith.constant 0 : index
        %swap3A_405 = tpu.vector_load %swap3A_402[%swap3A_403, %swap3A_404] {strides = array<i32>} : memref<200x128xf32, #tpu.memory_space<vmem>>, vector<1x16xf32>,
        %swap3A_406 = vector.shape_cast %swap3A_405 : vector<1x16xf32> to vector<16xf32>
        %swap3A_407 = vector.shape_cast %add3A_399 : vector<16xf32> to vector<1x16xf32>
        tpu.vector_store %swap3A_402[%swap3A_403, %swap3A_404], %swap3A_407 {strides = array<i32>} : memref<200x128xf32, #tpu.memory_space<vmem>>, vector<1x16xf32>,
        %get3A_408 = arith.constant 0 : i32
        %get3A_409 = arith.constant 0 : i32
        %get3A_410 = tpu.memref_slice %arg9[%scan3A_298, %get3A_408, %get3A_409] : memref<4x100x128xf32, #tpu.memory_space<vmem>> -> memref<1x100x128xf32, #tpu.memory_space<vmem>>
        %get3A_411 = tpu.memref_squeeze %get3A_410 : memref<1x100x128xf32, #tpu.memory_space<vmem>> -> memref<100x128xf32, #tpu.memory_space<vmem>>
        %get3A_412 = arith.index_cast %scan3A_388 : i32 to index
        %get3A_413 = arith.constant 16 : index
        %get3A_414 = tpu.vector_load %get3A_411[%get3A_412, %get3A_413] {strides = array<i32>} : memref<100x128xf32, #tpu.memory_space<vmem>>, vector<1x16xf32>,
        %get3A_415 = vector.shape_cast %get3A_414 : vector<1x16xf32> to vector<16xf32>
        %add3A_416 = arith.addf %get3A_415, %get3A_272 : vector<16xf32>
        %swap3A_417 = arith.constant 0 : i32
        %swap3A_418 = arith.constant 0 : i32
        %swap3A_419 = tpu.memref_slice %arg10[%scan3A_299, %swap3A_417, %swap3A_418] : memref<2x200x128xf32, #tpu.memory_space<vmem>> -> memref<1x200x128xf32, #tpu.memory_space<vmem>>
        %swap3A_420 = tpu.memref_squeeze %swap3A_419 : memref<1x200x128xf32, #tpu.memory_space<vmem>> -> memref<200x128xf32, #tpu.memory_space<vmem>>
        %swap3A_421 = arith.index_cast %add3A_390 : i32 to index
        %swap3A_422 = arith.constant 16 : index
        %swap3A_423 = tpu.vector_load %swap3A_420[%swap3A_421, %swap3A_422] {strides = array<i32>} : memref<200x128xf32, #tpu.memory_space<vmem>>, vector<1x16xf32>,
        %swap3A_424 = vector.shape_cast %swap3A_423 : vector<1x16xf32> to vector<16xf32>
        %swap3A_425 = vector.shape_cast %add3A_416 : vector<16xf32> to vector<1x16xf32>
        tpu.vector_store %swap3A_420[%swap3A_421, %swap3A_422], %swap3A_425 {strides = array<i32>} : memref<200x128xf32, #tpu.memory_space<vmem>>, vector<1x16xf32>,
        %get3A_426 = arith.constant 0 : i32
        %get3A_427 = arith.constant 0 : i32
        %get3A_428 = tpu.memref_slice %arg9[%scan3A_298, %get3A_426, %get3A_427] : memref<4x100x128xf32, #tpu.memory_space<vmem>> -> memref<1x100x128xf32, #tpu.memory_space<vmem>>
        %get3A_429 = tpu.memref_squeeze %get3A_428 : memref<1x100x128xf32, #tpu.memory_space<vmem>> -> memref<100x128xf32, #tpu.memory_space<vmem>>
        %get3A_430 = arith.index_cast %scan3A_388 : i32 to index
        %get3A_431 = arith.constant 32 : index
        %get3A_432 = tpu.vector_load %get3A_429[%get3A_430, %get3A_431] {strides = array<i32>} : memref<100x128xf32, #tpu.memory_space<vmem>>, vector<1x16xf32>,
        %get3A_433 = vector.shape_cast %get3A_432 : vector<1x16xf32> to vector<16xf32>
        %add3A_434 = arith.addf %get3A_433, %get3A_276 : vector<16xf32>
        %swap3A_435 = arith.constant 0 : i32
        %swap3A_436 = arith.constant 0 : i32
        %swap3A_437 = tpu.memref_slice %arg10[%scan3A_299, %swap3A_435, %swap3A_436] : memref<2x200x128xf32, #tpu.memory_space<vmem>> -> memref<1x200x128xf32, #tpu.memory_space<vmem>>
        %swap3A_438 = tpu.memref_squeeze %swap3A_437 : memref<1x200x128xf32, #tpu.memory_space<vmem>> -> memref<200x128xf32, #tpu.memory_space<vmem>>
        %swap3A_439 = arith.index_cast %add3A_390 : i32 to index
        %swap3A_440 = arith.constant 32 : index
        %swap3A_441 = tpu.vector_load %swap3A_438[%swap3A_439, %swap3A_440] {strides = array<i32>} : memref<200x128xf32, #tpu.memory_space<vmem>>, vector<1x16xf32>,
        %swap3A_442 = vector.shape_cast %swap3A_441 : vector<1x16xf32> to vector<16xf32>
        %swap3A_443 = vector.shape_cast %add3A_434 : vector<16xf32> to vector<1x16xf32>
        tpu.vector_store %swap3A_438[%swap3A_439, %swap3A_440], %swap3A_443 {strides = array<i32>} : memref<200x128xf32, #tpu.memory_space<vmem>>, vector<1x16xf32>,
        %get3A_444 = arith.constant 0 : i32
        %get3A_445 = arith.constant 0 : i32
        %get3A_446 = tpu.memref_slice %arg9[%scan3A_298, %get3A_444, %get3A_445] : memref<4x100x128xf32, #tpu.memory_space<vmem>> -> memref<1x100x128xf32, #tpu.memory_space<vmem>>
        %get3A_447 = tpu.memref_squeeze %get3A_446 : memref<1x100x128xf32, #tpu.memory_space<vmem>> -> memref<100x128xf32, #tpu.memory_space<vmem>>
        %get3A_448 = arith.index_cast %scan3A_388 : i32 to index
        %get3A_449 = arith.constant 48 : index
        %get3A_450 = tpu.vector_load %get3A_447[%get3A_448, %get3A_449] {strides = array<i32>} : memref<100x128xf32, #tpu.memory_space<vmem>>, vector<1x16xf32>,
        %get3A_451 = vector.shape_cast %get3A_450 : vector<1x16xf32> to vector<16xf32>
        %add3A_452 = arith.addf %get3A_451, %get3A_280 : vector<16xf32>
        %swap3A_453 = arith.constant 0 : i32
        %swap3A_454 = arith.constant 0 : i32
        %swap3A_455 = tpu.memref_slice %arg10[%scan3A_299, %swap3A_453, %swap3A_454] : memref<2x200x128xf32, #tpu.memory_space<vmem>> -> memref<1x200x128xf32, #tpu.memory_space<vmem>>
        %swap3A_456 = tpu.memref_squeeze %swap3A_455 : memref<1x200x128xf32, #tpu.memory_space<vmem>> -> memref<200x128xf32, #tpu.memory_space<vmem>>
        %swap3A_457 = arith.index_cast %add3A_390 : i32 to index
        %swap3A_458 = arith.constant 48 : index
        %swap3A_459 = tpu.vector_load %swap3A_456[%swap3A_457, %swap3A_458] {strides = array<i32>} : memref<200x128xf32, #tpu.memory_space<vmem>>, vector<1x16xf32>,
        %swap3A_460 = vector.shape_cast %swap3A_459 : vector<1x16xf32> to vector<16xf32>
        %swap3A_461 = vector.shape_cast %add3A_452 : vector<16xf32> to vector<1x16xf32>
        tpu.vector_store %swap3A_456[%swap3A_457, %swap3A_458], %swap3A_461 {strides = array<i32>} : memref<200x128xf32, #tpu.memory_space<vmem>>, vector<1x16xf32>,
        %get3A_462 = arith.constant 0 : i32
        %get3A_463 = arith.constant 0 : i32
        %get3A_464 = tpu.memref_slice %arg9[%scan3A_298, %get3A_462, %get3A_463] : memref<4x100x128xf32, #tpu.memory_space<vmem>> -> memref<1x100x128xf32, #tpu.memory_space<vmem>>
        %get3A_465 = tpu.memref_squeeze %get3A_464 : memref<1x100x128xf32, #tpu.memory_space<vmem>> -> memref<100x128xf32, #tpu.memory_space<vmem>>
        %get3A_466 = arith.index_cast %scan3A_388 : i32 to index
        %get3A_467 = arith.constant 64 : index
        %get3A_468 = tpu.vector_load %get3A_465[%get3A_466, %get3A_467] {strides = array<i32>} : memref<100x128xf32, #tpu.memory_space<vmem>>, vector<1x16xf32>,
        %get3A_469 = vector.shape_cast %get3A_468 : vector<1x16xf32> to vector<16xf32>
        %add3A_470 = arith.addf %get3A_469, %get3A_284 : vector<16xf32>
        %swap3A_471 = arith.constant 0 : i32
        %swap3A_472 = arith.constant 0 : i32
        %swap3A_473 = tpu.memref_slice %arg10[%scan3A_299, %swap3A_471, %swap3A_472] : memref<2x200x128xf32, #tpu.memory_space<vmem>> -> memref<1x200x128xf32, #tpu.memory_space<vmem>>
        %swap3A_474 = tpu.memref_squeeze %swap3A_473 : memref<1x200x128xf32, #tpu.memory_space<vmem>> -> memref<200x128xf32, #tpu.memory_space<vmem>>
        %swap3A_475 = arith.index_cast %add3A_390 : i32 to index
        %swap3A_476 = arith.constant 64 : index
        %swap3A_477 = tpu.vector_load %swap3A_474[%swap3A_475, %swap3A_476] {strides = array<i32>} : memref<200x128xf32, #tpu.memory_space<vmem>>, vector<1x16xf32>,
        %swap3A_478 = vector.shape_cast %swap3A_477 : vector<1x16xf32> to vector<16xf32>
        %swap3A_479 = vector.shape_cast %add3A_470 : vector<16xf32> to vector<1x16xf32>
        tpu.vector_store %swap3A_474[%swap3A_475, %swap3A_476], %swap3A_479 {strides = array<i32>} : memref<200x128xf32, #tpu.memory_space<vmem>>, vector<1x16xf32>,
        %get3A_480 = arith.constant 0 : i32
        %get3A_481 = arith.constant 0 : i32
        %get3A_482 = tpu.memref_slice %arg9[%scan3A_298, %get3A_480, %get3A_481] : memref<4x100x128xf32, #tpu.memory_space<vmem>> -> memref<1x100x128xf32, #tpu.memory_space<vmem>>
        %get3A_483 = tpu.memref_squeeze %get3A_482 : memref<1x100x128xf32, #tpu.memory_space<vmem>> -> memref<100x128xf32, #tpu.memory_space<vmem>>
        %get3A_484 = arith.index_cast %scan3A_388 : i32 to index
        %get3A_485 = arith.constant 80 : index
        %get3A_486 = tpu.vector_load %get3A_483[%get3A_484, %get3A_485] {strides = array<i32>} : memref<100x128xf32, #tpu.memory_space<vmem>>, vector<1x16xf32>,
        %get3A_487 = vector.shape_cast %get3A_486 : vector<1x16xf32> to vector<16xf32>
        %add3A_488 = arith.addf %get3A_487, %get3A_288 : vector<16xf32>
        %swap3A_489 = arith.constant 0 : i32
        %swap3A_490 = arith.constant 0 : i32
        %swap3A_491 = tpu.memref_slice %arg10[%scan3A_299, %swap3A_489, %swap3A_490] : memref<2x200x128xf32, #tpu.memory_space<vmem>> -> memref<1x200x128xf32, #tpu.memory_space<vmem>>
        %swap3A_492 = tpu.memref_squeeze %swap3A_491 : memref<1x200x128xf32, #tpu.memory_space<vmem>> -> memref<200x128xf32, #tpu.memory_space<vmem>>
        %swap3A_493 = arith.index_cast %add3A_390 : i32 to index
        %swap3A_494 = arith.constant 80 : index
        %swap3A_495 = tpu.vector_load %swap3A_492[%swap3A_493, %swap3A_494] {strides = array<i32>} : memref<200x128xf32, #tpu.memory_space<vmem>>, vector<1x16xf32>,
        %swap3A_496 = vector.shape_cast %swap3A_495 : vector<1x16xf32> to vector<16xf32>
        %swap3A_497 = vector.shape_cast %add3A_488 : vector<16xf32> to vector<1x16xf32>
        tpu.vector_store %swap3A_492[%swap3A_493, %swap3A_494], %swap3A_497 {strides = array<i32>} : memref<200x128xf32, #tpu.memory_space<vmem>>, vector<1x16xf32>,
        %get3A_498 = arith.constant 0 : i32
        %get3A_499 = arith.constant 0 : i32
        %get3A_500 = tpu.memref_slice %arg9[%scan3A_298, %get3A_498, %get3A_499] : memref<4x100x128xf32, #tpu.memory_space<vmem>> -> memref<1x100x128xf32, #tpu.memory_space<vmem>>
        %get3A_501 = tpu.memref_squeeze %get3A_500 : memref<1x100x128xf32, #tpu.memory_space<vmem>> -> memref<100x128xf32, #tpu.memory_space<vmem>>
        %get3A_502 = arith.index_cast %scan3A_388 : i32 to index
        %get3A_503 = arith.constant 96 : index
        %get3A_504 = tpu.vector_load %get3A_501[%get3A_502, %get3A_503] {strides = array<i32>} : memref<100x128xf32, #tpu.memory_space<vmem>>, vector<1x16xf32>,
        %get3A_505 = vector.shape_cast %get3A_504 : vector<1x16xf32> to vector<16xf32>
        %add3A_506 = arith.addf %get3A_505, %get3A_292 : vector<16xf32>
        %swap3A_507 = arith.constant 0 : i32
        %swap3A_508 = arith.constant 0 : i32
        %swap3A_509 = tpu.memref_slice %arg10[%scan3A_299, %swap3A_507, %swap3A_508] : memref<2x200x128xf32, #tpu.memory_space<vmem>> -> memref<1x200x128xf32, #tpu.memory_space<vmem>>
        %swap3A_510 = tpu.memref_squeeze %swap3A_509 : memref<1x200x128xf32, #tpu.memory_space<vmem>> -> memref<200x128xf32, #tpu.memory_space<vmem>>
        %swap3A_511 = arith.index_cast %add3A_390 : i32 to index
        %swap3A_512 = arith.constant 96 : index
        %swap3A_513 = tpu.vector_load %swap3A_510[%swap3A_511, %swap3A_512] {strides = array<i32>} : memref<200x128xf32, #tpu.memory_space<vmem>>, vector<1x16xf32>,
        %swap3A_514 = vector.shape_cast %swap3A_513 : vector<1x16xf32> to vector<16xf32>
        %swap3A_515 = vector.shape_cast %add3A_506 : vector<16xf32> to vector<1x16xf32>
        tpu.vector_store %swap3A_510[%swap3A_511, %swap3A_512], %swap3A_515 {strides = array<i32>} : memref<200x128xf32, #tpu.memory_space<vmem>>, vector<1x16xf32>,
        %get3A_516 = arith.constant 0 : i32
        %get3A_517 = arith.constant 0 : i32
        %get3A_518 = tpu.memref_slice %arg9[%scan3A_298, %get3A_516, %get3A_517] : memref<4x100x128xf32, #tpu.memory_space<vmem>> -> memref<1x100x128xf32, #tpu.memory_space<vmem>>
        %get3A_519 = tpu.memref_squeeze %get3A_518 : memref<1x100x128xf32, #tpu.memory_space<vmem>> -> memref<100x128xf32, #tpu.memory_space<vmem>>
        %get3A_520 = arith.index_cast %scan3A_388 : i32 to index
        %get3A_521 = arith.constant 112 : index
        %get3A_522 = tpu.vector_load %get3A_519[%get3A_520, %get3A_521] {strides = array<i32>} : memref<100x128xf32, #tpu.memory_space<vmem>>, vector<1x16xf32>,
        %get3A_523 = vector.shape_cast %get3A_522 : vector<1x16xf32> to vector<16xf32>
        %add3A_524 = arith.addf %get3A_523, %get3A_296 : vector<16xf32>
        %swap3A_525 = arith.constant 0 : i32
        %swap3A_526 = arith.constant 0 : i32
        %swap3A_527 = tpu.memref_slice %arg10[%scan3A_299, %swap3A_525, %swap3A_526] : memref<2x200x128xf32, #tpu.memory_space<vmem>> -> memref<1x200x128xf32, #tpu.memory_space<vmem>>
        %swap3A_528 = tpu.memref_squeeze %swap3A_527 : memref<1x200x128xf32, #tpu.memory_space<vmem>> -> memref<200x128xf32, #tpu.memory_space<vmem>>
        %swap3A_529 = arith.index_cast %add3A_390 : i32 to index
        %swap3A_530 = arith.constant 112 : index
        %swap3A_531 = tpu.vector_load %swap3A_528[%swap3A_529, %swap3A_530] {strides = array<i32>} : memref<200x128xf32, #tpu.memory_space<vmem>>, vector<1x16xf32>,
        %swap3A_532 = vector.shape_cast %swap3A_531 : vector<1x16xf32> to vector<16xf32>
        %swap3A_533 = vector.shape_cast %add3A_524 : vector<16xf32> to vector<1x16xf32>
        tpu.vector_store %swap3A_528[%swap3A_529, %swap3A_530], %swap3A_533 {strides = array<i32>} : memref<200x128xf32, #tpu.memory_space<vmem>>, vector<1x16xf32>,
      }
      %scan3A_304 = arith.constant 100 : i32
      %mul3A_305 = arith.constant 2 : i32
      %mul3A_306 = arith.muli %mul3A_305, %scan3A_72 : i32
      %add3A_307 = arith.constant 1 : i32
      %add3A_308 = arith.addi %mul3A_306, %add3A_307 : i32
      %dma_wait3A_309 = arith.constant 1 : i32
      %dma_wait3A_310 = arith.constant 3 : i32
      %dma_wait3A_311 = arith.constant 0 : i32
      %dma_wait3A_312 = arith.constant 0 : i32
      %dma_wait3A_313 = tpu.memref_slice %arg9[%dma_wait3A_310, %dma_wait3A_311, %dma_wait3A_312] : memref<4x100x128xf32, #tpu.memory_space<vmem>> -> memref<1x100x128xf32, #tpu.memory_space<vmem>>
      %dma_wait3A_314 = tpu.memref_squeeze %dma_wait3A_313 : memref<1x100x128xf32, #tpu.memory_space<vmem>> -> memref<100x128xf32, #tpu.memory_space<vmem>>
      %dma_wait3A_315 = arith.constant 0 : i32
      %dma_wait3A_316 = tpu.memref_slice %arg7[%add3A_308, %dma_wait3A_309, %dma_wait3A_315] : memref<32x2x100xi32, #tpu.memory_space<vmem>> -> memref<1x1x100xi32, #tpu.memory_space<vmem>>
      %dma_wait3A_317 = tpu.memref_squeeze %dma_wait3A_316 : memref<1x1x100xi32, #tpu.memory_space<vmem>> -> memref<100xi32, #tpu.memory_space<vmem>>
      %dma_wait3A_318 = arith.constant 0 : i32
      %dma_wait3A_319 = arith.constant 0 : i32
      %dma_wait3A_320 = tpu.memref_slice %arg4[%dma_wait3A_318, %dma_wait3A_319] : memref<100000x128xf32, #tpu.memory_space<hbm>> -> memref<100000x128xf32, #tpu.memory_space<hbm>>
      tpu.wait_indirect_dma semaphore(%arg15 : memref<!tpu.dma_semaphore, #tpu.memory_space<semaphore_mem>>) src(%dma_wait3A_320 : memref<100000x128xf32, #tpu.memory_space<hbm>>) dst(%dma_wait3A_314 : memref<100x128xf32, #tpu.memory_space<vmem>>)
      %mul3A_321 = arith.constant 2 : i32
      %mul3A_322 = arith.muli %mul3A_321, %scan3A_72 : i32
      %add3A_323 = arith.constant 2 : i32
      %add3A_324 = arith.addi %mul3A_322, %add3A_323 : i32
      %lt3A_325 = arith.constant 15 : i32
      %lt3A_326 = arith.cmpi slt, %scan3A_72, %lt3A_325 : i32
      %convert_element_type3A_327 = arith.extui %lt3A_326 : i1 to i32
      %cond3A_328 = arith.constant 0 : i32
      %cond3A_329 = arith.cmpi ne, %convert_element_type3A_327, %cond3A_328 : i32
      scf.if %cond3A_329 {
        %dma_start3A_388 = arith.constant 1 : i32
        %dma_start3A_389 = arith.constant 1 : i32
        %dma_start3A_390 = arith.constant 0 : i32
        %dma_start3A_391 = arith.constant 0 : i32
        %dma_start3A_392 = tpu.memref_slice %arg9[%dma_start3A_389, %dma_start3A_390, %dma_start3A_391] : memref<4x100x128xf32, #tpu.memory_space<vmem>> -> memref<1x100x128xf32, #tpu.memory_space<vmem>>
        %dma_start3A_393 = tpu.memref_squeeze %dma_start3A_392 : memref<1x100x128xf32, #tpu.memory_space<vmem>> -> memref<100x128xf32, #tpu.memory_space<vmem>>
        %dma_start3A_394 = arith.constant 0 : i32
        %dma_start3A_395 = tpu.memref_slice %arg7[%add3A_324, %dma_start3A_388, %dma_start3A_394] : memref<32x2x100xi32, #tpu.memory_space<vmem>> -> memref<1x1x100xi32, #tpu.memory_space<vmem>>
        %dma_start3A_396 = tpu.memref_squeeze %dma_start3A_395 : memref<1x1x100xi32, #tpu.memory_space<vmem>> -> memref<100xi32, #tpu.memory_space<vmem>>
        %dma_start3A_397 = arith.constant 0 : i32
        %dma_start3A_398 = arith.constant 0 : i32
        %dma_start3A_399 = tpu.memref_slice %arg4[%dma_start3A_397, %dma_start3A_398] : memref<100000x128xf32, #tpu.memory_space<hbm>> -> memref<100000x128xf32, #tpu.memory_space<hbm>>
        tpu.enqueue_indirect_dma source(%dma_start3A_399 : memref<100000x128xf32, #tpu.memory_space<hbm>>) target(%dma_start3A_393 : memref<100x128xf32, #tpu.memory_space<vmem>>) offsets(%dma_start3A_396 : memref<100xi32, #tpu.memory_space<vmem>>) semaphore(%arg13 : memref<!tpu.dma_semaphore, #tpu.memory_space<semaphore_mem>>)
      } else {
      }
      %get3A_330 = arith.index_cast %add3A_308 : i32 to index
      %get3A_331 = arith.constant 0 : index
      %get3A_332 = tpu.vector_load %arg11[%get3A_330, %get3A_331] {strides = array<i32>} : memref<32x128xf32, #tpu.memory_space<vmem>>, vector<1x16xf32>,
      %get3A_333 = vector.shape_cast %get3A_332 : vector<1x16xf32> to vector<16xf32>
      %get3A_334 = arith.index_cast %add3A_308 : i32 to index
      %get3A_335 = arith.constant 16 : index
      %get3A_336 = tpu.vector_load %arg11[%get3A_334, %get3A_335] {strides = array<i32>} : memref<32x128xf32, #tpu.memory_space<vmem>>, vector<1x16xf32>,
      %get3A_337 = vector.shape_cast %get3A_336 : vector<1x16xf32> to vector<16xf32>
      %get3A_338 = arith.index_cast %add3A_308 : i32 to index
      %get3A_339 = arith.constant 32 : index
      %get3A_340 = tpu.vector_load %arg11[%get3A_338, %get3A_339] {strides = array<i32>} : memref<32x128xf32, #tpu.memory_space<vmem>>, vector<1x16xf32>,
      %get3A_341 = vector.shape_cast %get3A_340 : vector<1x16xf32> to vector<16xf32>
      %get3A_342 = arith.index_cast %add3A_308 : i32 to index
      %get3A_343 = arith.constant 48 : index
      %get3A_344 = tpu.vector_load %arg11[%get3A_342, %get3A_343] {strides = array<i32>} : memref<32x128xf32, #tpu.memory_space<vmem>>, vector<1x16xf32>,
      %get3A_345 = vector.shape_cast %get3A_344 : vector<1x16xf32> to vector<16xf32>
      %get3A_346 = arith.index_cast %add3A_308 : i32 to index
      %get3A_347 = arith.constant 64 : index
      %get3A_348 = tpu.vector_load %arg11[%get3A_346, %get3A_347] {strides = array<i32>} : memref<32x128xf32, #tpu.memory_space<vmem>>, vector<1x16xf32>,
      %get3A_349 = vector.shape_cast %get3A_348 : vector<1x16xf32> to vector<16xf32>
      %get3A_350 = arith.index_cast %add3A_308 : i32 to index
      %get3A_351 = arith.constant 80 : index
      %get3A_352 = tpu.vector_load %arg11[%get3A_350, %get3A_351] {strides = array<i32>} : memref<32x128xf32, #tpu.memory_space<vmem>>, vector<1x16xf32>,
      %get3A_353 = vector.shape_cast %get3A_352 : vector<1x16xf32> to vector<16xf32>
      %get3A_354 = arith.index_cast %add3A_308 : i32 to index
      %get3A_355 = arith.constant 96 : index
      %get3A_356 = tpu.vector_load %arg11[%get3A_354, %get3A_355] {strides = array<i32>} : memref<32x128xf32, #tpu.memory_space<vmem>>, vector<1x16xf32>,
      %get3A_357 = vector.shape_cast %get3A_356 : vector<1x16xf32> to vector<16xf32>
      %get3A_358 = arith.index_cast %add3A_308 : i32 to index
      %get3A_359 = arith.constant 112 : index
      %get3A_360 = tpu.vector_load %arg11[%get3A_358, %get3A_359] {strides = array<i32>} : memref<32x128xf32, #tpu.memory_space<vmem>>, vector<1x16xf32>,
      %get3A_361 = vector.shape_cast %get3A_360 : vector<1x16xf32> to vector<16xf32>
      %scan3A_362 = arith.constant 0 : i32
      %scan3A_363 = arith.constant 3 : i32
      %scan3A_364 = arith.constant 1 : i32
      %scan3A_365 = arith.constant 0 : i32
      %scan3A_366 = arith.constant 100 : i32
      %scan3A_367 = arith.addi %scan3A_365, %scan3A_366 : i32
      %scan3A_368 = arith.constant 1 : i32
      scf.for %scan3A_388 = %scan3A_365 to %scan3A_367 step %scan3A_368  : i32 {
        %add3A_389 = arith.constant 100 : i32
        %add3A_390 = arith.addi %add3A_389, %scan3A_388 : i32
        %get3A_391 = arith.constant 0 : i32
        %get3A_392 = arith.constant 0 : i32
        %get3A_393 = tpu.memref_slice %arg9[%scan3A_363, %get3A_391, %get3A_392] : memref<4x100x128xf32, #tpu.memory_space<vmem>> -> memref<1x100x128xf32, #tpu.memory_space<vmem>>
        %get3A_394 = tpu.memref_squeeze %get3A_393 : memref<1x100x128xf32, #tpu.memory_space<vmem>> -> memref<100x128xf32, #tpu.memory_space<vmem>>
        %get3A_395 = arith.index_cast %scan3A_388 : i32 to index
        %get3A_396 = arith.constant 0 : index
        %get3A_397 = tpu.vector_load %get3A_394[%get3A_395, %get3A_396] {strides = array<i32>} : memref<100x128xf32, #tpu.memory_space<vmem>>, vector<1x16xf32>,
        %get3A_398 = vector.shape_cast %get3A_397 : vector<1x16xf32> to vector<16xf32>
        %add3A_399 = arith.addf %get3A_398, %get3A_333 : vector<16xf32>
        %swap3A = arith.constant 0 : i32
        %swap3A_400 = arith.constant 0 : i32
        %swap3A_401 = tpu.memref_slice %arg10[%scan3A_364, %swap3A, %swap3A_400] : memref<2x200x128xf32, #tpu.memory_space<vmem>> -> memref<1x200x128xf32, #tpu.memory_space<vmem>>
        %swap3A_402 = tpu.memref_squeeze %swap3A_401 : memref<1x200x128xf32, #tpu.memory_space<vmem>> -> memref<200x128xf32, #tpu.memory_space<vmem>>
        %swap3A_403 = arith.index_cast %add3A_390 : i32 to index
        %swap3A_404 = arith.constant 0 : index
        %swap3A_405 = tpu.vector_load %swap3A_402[%swap3A_403, %swap3A_404] {strides = array<i32>} : memref<200x128xf32, #tpu.memory_space<vmem>>, vector<1x16xf32>,
        %swap3A_406 = vector.shape_cast %swap3A_405 : vector<1x16xf32> to vector<16xf32>
        %swap3A_407 = vector.shape_cast %add3A_399 : vector<16xf32> to vector<1x16xf32>
        tpu.vector_store %swap3A_402[%swap3A_403, %swap3A_404], %swap3A_407 {strides = array<i32>} : memref<200x128xf32, #tpu.memory_space<vmem>>, vector<1x16xf32>,
        %get3A_408 = arith.constant 0 : i32
        %get3A_409 = arith.constant 0 : i32
        %get3A_410 = tpu.memref_slice %arg9[%scan3A_363, %get3A_408, %get3A_409] : memref<4x100x128xf32, #tpu.memory_space<vmem>> -> memref<1x100x128xf32, #tpu.memory_space<vmem>>
        %get3A_411 = tpu.memref_squeeze %get3A_410 : memref<1x100x128xf32, #tpu.memory_space<vmem>> -> memref<100x128xf32, #tpu.memory_space<vmem>>
        %get3A_412 = arith.index_cast %scan3A_388 : i32 to index
        %get3A_413 = arith.constant 16 : index
        %get3A_414 = tpu.vector_load %get3A_411[%get3A_412, %get3A_413] {strides = array<i32>} : memref<100x128xf32, #tpu.memory_space<vmem>>, vector<1x16xf32>,
        %get3A_415 = vector.shape_cast %get3A_414 : vector<1x16xf32> to vector<16xf32>
        %add3A_416 = arith.addf %get3A_415, %get3A_337 : vector<16xf32>
        %swap3A_417 = arith.constant 0 : i32
        %swap3A_418 = arith.constant 0 : i32
        %swap3A_419 = tpu.memref_slice %arg10[%scan3A_364, %swap3A_417, %swap3A_418] : memref<2x200x128xf32, #tpu.memory_space<vmem>> -> memref<1x200x128xf32, #tpu.memory_space<vmem>>
        %swap3A_420 = tpu.memref_squeeze %swap3A_419 : memref<1x200x128xf32, #tpu.memory_space<vmem>> -> memref<200x128xf32, #tpu.memory_space<vmem>>
        %swap3A_421 = arith.index_cast %add3A_390 : i32 to index
        %swap3A_422 = arith.constant 16 : index
        %swap3A_423 = tpu.vector_load %swap3A_420[%swap3A_421, %swap3A_422] {strides = array<i32>} : memref<200x128xf32, #tpu.memory_space<vmem>>, vector<1x16xf32>,
        %swap3A_424 = vector.shape_cast %swap3A_423 : vector<1x16xf32> to vector<16xf32>
        %swap3A_425 = vector.shape_cast %add3A_416 : vector<16xf32> to vector<1x16xf32>
        tpu.vector_store %swap3A_420[%swap3A_421, %swap3A_422], %swap3A_425 {strides = array<i32>} : memref<200x128xf32, #tpu.memory_space<vmem>>, vector<1x16xf32>,
        %get3A_426 = arith.constant 0 : i32
        %get3A_427 = arith.constant 0 : i32
        %get3A_428 = tpu.memref_slice %arg9[%scan3A_363, %get3A_426, %get3A_427] : memref<4x100x128xf32, #tpu.memory_space<vmem>> -> memref<1x100x128xf32, #tpu.memory_space<vmem>>
        %get3A_429 = tpu.memref_squeeze %get3A_428 : memref<1x100x128xf32, #tpu.memory_space<vmem>> -> memref<100x128xf32, #tpu.memory_space<vmem>>
        %get3A_430 = arith.index_cast %scan3A_388 : i32 to index
        %get3A_431 = arith.constant 32 : index
        %get3A_432 = tpu.vector_load %get3A_429[%get3A_430, %get3A_431] {strides = array<i32>} : memref<100x128xf32, #tpu.memory_space<vmem>>, vector<1x16xf32>,
        %get3A_433 = vector.shape_cast %get3A_432 : vector<1x16xf32> to vector<16xf32>
        %add3A_434 = arith.addf %get3A_433, %get3A_341 : vector<16xf32>
        %swap3A_435 = arith.constant 0 : i32
        %swap3A_436 = arith.constant 0 : i32
        %swap3A_437 = tpu.memref_slice %arg10[%scan3A_364, %swap3A_435, %swap3A_436] : memref<2x200x128xf32, #tpu.memory_space<vmem>> -> memref<1x200x128xf32, #tpu.memory_space<vmem>>
        %swap3A_438 = tpu.memref_squeeze %swap3A_437 : memref<1x200x128xf32, #tpu.memory_space<vmem>> -> memref<200x128xf32, #tpu.memory_space<vmem>>
        %swap3A_439 = arith.index_cast %add3A_390 : i32 to index
        %swap3A_440 = arith.constant 32 : index
        %swap3A_441 = tpu.vector_load %swap3A_438[%swap3A_439, %swap3A_440] {strides = array<i32>} : memref<200x128xf32, #tpu.memory_space<vmem>>, vector<1x16xf32>,
        %swap3A_442 = vector.shape_cast %swap3A_441 : vector<1x16xf32> to vector<16xf32>
        %swap3A_443 = vector.shape_cast %add3A_434 : vector<16xf32> to vector<1x16xf32>
        tpu.vector_store %swap3A_438[%swap3A_439, %swap3A_440], %swap3A_443 {strides = array<i32>} : memref<200x128xf32, #tpu.memory_space<vmem>>, vector<1x16xf32>,
        %get3A_444 = arith.constant 0 : i32
        %get3A_445 = arith.constant 0 : i32
        %get3A_446 = tpu.memref_slice %arg9[%scan3A_363, %get3A_444, %get3A_445] : memref<4x100x128xf32, #tpu.memory_space<vmem>> -> memref<1x100x128xf32, #tpu.memory_space<vmem>>
        %get3A_447 = tpu.memref_squeeze %get3A_446 : memref<1x100x128xf32, #tpu.memory_space<vmem>> -> memref<100x128xf32, #tpu.memory_space<vmem>>
        %get3A_448 = arith.index_cast %scan3A_388 : i32 to index
        %get3A_449 = arith.constant 48 : index
        %get3A_450 = tpu.vector_load %get3A_447[%get3A_448, %get3A_449] {strides = array<i32>} : memref<100x128xf32, #tpu.memory_space<vmem>>, vector<1x16xf32>,
        %get3A_451 = vector.shape_cast %get3A_450 : vector<1x16xf32> to vector<16xf32>
        %add3A_452 = arith.addf %get3A_451, %get3A_345 : vector<16xf32>
        %swap3A_453 = arith.constant 0 : i32
        %swap3A_454 = arith.constant 0 : i32
        %swap3A_455 = tpu.memref_slice %arg10[%scan3A_364, %swap3A_453, %swap3A_454] : memref<2x200x128xf32, #tpu.memory_space<vmem>> -> memref<1x200x128xf32, #tpu.memory_space<vmem>>
        %swap3A_456 = tpu.memref_squeeze %swap3A_455 : memref<1x200x128xf32, #tpu.memory_space<vmem>> -> memref<200x128xf32, #tpu.memory_space<vmem>>
        %swap3A_457 = arith.index_cast %add3A_390 : i32 to index
        %swap3A_458 = arith.constant 48 : index
        %swap3A_459 = tpu.vector_load %swap3A_456[%swap3A_457, %swap3A_458] {strides = array<i32>} : memref<200x128xf32, #tpu.memory_space<vmem>>, vector<1x16xf32>,
        %swap3A_460 = vector.shape_cast %swap3A_459 : vector<1x16xf32> to vector<16xf32>
        %swap3A_461 = vector.shape_cast %add3A_452 : vector<16xf32> to vector<1x16xf32>
        tpu.vector_store %swap3A_456[%swap3A_457, %swap3A_458], %swap3A_461 {strides = array<i32>} : memref<200x128xf32, #tpu.memory_space<vmem>>, vector<1x16xf32>,
        %get3A_462 = arith.constant 0 : i32
        %get3A_463 = arith.constant 0 : i32
        %get3A_464 = tpu.memref_slice %arg9[%scan3A_363, %get3A_462, %get3A_463] : memref<4x100x128xf32, #tpu.memory_space<vmem>> -> memref<1x100x128xf32, #tpu.memory_space<vmem>>
        %get3A_465 = tpu.memref_squeeze %get3A_464 : memref<1x100x128xf32, #tpu.memory_space<vmem>> -> memref<100x128xf32, #tpu.memory_space<vmem>>
        %get3A_466 = arith.index_cast %scan3A_388 : i32 to index
        %get3A_467 = arith.constant 64 : index
        %get3A_468 = tpu.vector_load %get3A_465[%get3A_466, %get3A_467] {strides = array<i32>} : memref<100x128xf32, #tpu.memory_space<vmem>>, vector<1x16xf32>,
        %get3A_469 = vector.shape_cast %get3A_468 : vector<1x16xf32> to vector<16xf32>
        %add3A_470 = arith.addf %get3A_469, %get3A_349 : vector<16xf32>
        %swap3A_471 = arith.constant 0 : i32
        %swap3A_472 = arith.constant 0 : i32
        %swap3A_473 = tpu.memref_slice %arg10[%scan3A_364, %swap3A_471, %swap3A_472] : memref<2x200x128xf32, #tpu.memory_space<vmem>> -> memref<1x200x128xf32, #tpu.memory_space<vmem>>
        %swap3A_474 = tpu.memref_squeeze %swap3A_473 : memref<1x200x128xf32, #tpu.memory_space<vmem>> -> memref<200x128xf32, #tpu.memory_space<vmem>>
        %swap3A_475 = arith.index_cast %add3A_390 : i32 to index
        %swap3A_476 = arith.constant 64 : index
        %swap3A_477 = tpu.vector_load %swap3A_474[%swap3A_475, %swap3A_476] {strides = array<i32>} : memref<200x128xf32, #tpu.memory_space<vmem>>, vector<1x16xf32>,
        %swap3A_478 = vector.shape_cast %swap3A_477 : vector<1x16xf32> to vector<16xf32>
        %swap3A_479 = vector.shape_cast %add3A_470 : vector<16xf32> to vector<1x16xf32>
        tpu.vector_store %swap3A_474[%swap3A_475, %swap3A_476], %swap3A_479 {strides = array<i32>} : memref<200x128xf32, #tpu.memory_space<vmem>>, vector<1x16xf32>,
        %get3A_480 = arith.constant 0 : i32
        %get3A_481 = arith.constant 0 : i32
        %get3A_482 = tpu.memref_slice %arg9[%scan3A_363, %get3A_480, %get3A_481] : memref<4x100x128xf32, #tpu.memory_space<vmem>> -> memref<1x100x128xf32, #tpu.memory_space<vmem>>
        %get3A_483 = tpu.memref_squeeze %get3A_482 : memref<1x100x128xf32, #tpu.memory_space<vmem>> -> memref<100x128xf32, #tpu.memory_space<vmem>>
        %get3A_484 = arith.index_cast %scan3A_388 : i32 to index
        %get3A_485 = arith.constant 80 : index
        %get3A_486 = tpu.vector_load %get3A_483[%get3A_484, %get3A_485] {strides = array<i32>} : memref<100x128xf32, #tpu.memory_space<vmem>>, vector<1x16xf32>,
        %get3A_487 = vector.shape_cast %get3A_486 : vector<1x16xf32> to vector<16xf32>
        %add3A_488 = arith.addf %get3A_487, %get3A_353 : vector<16xf32>
        %swap3A_489 = arith.constant 0 : i32
        %swap3A_490 = arith.constant 0 : i32
        %swap3A_491 = tpu.memref_slice %arg10[%scan3A_364, %swap3A_489, %swap3A_490] : memref<2x200x128xf32, #tpu.memory_space<vmem>> -> memref<1x200x128xf32, #tpu.memory_space<vmem>>
        %swap3A_492 = tpu.memref_squeeze %swap3A_491 : memref<1x200x128xf32, #tpu.memory_space<vmem>> -> memref<200x128xf32, #tpu.memory_space<vmem>>
        %swap3A_493 = arith.index_cast %add3A_390 : i32 to index
        %swap3A_494 = arith.constant 80 : index
        %swap3A_495 = tpu.vector_load %swap3A_492[%swap3A_493, %swap3A_494] {strides = array<i32>} : memref<200x128xf32, #tpu.memory_space<vmem>>, vector<1x16xf32>,
        %swap3A_496 = vector.shape_cast %swap3A_495 : vector<1x16xf32> to vector<16xf32>
        %swap3A_497 = vector.shape_cast %add3A_488 : vector<16xf32> to vector<1x16xf32>
        tpu.vector_store %swap3A_492[%swap3A_493, %swap3A_494], %swap3A_497 {strides = array<i32>} : memref<200x128xf32, #tpu.memory_space<vmem>>, vector<1x16xf32>,
        %get3A_498 = arith.constant 0 : i32
        %get3A_499 = arith.constant 0 : i32
        %get3A_500 = tpu.memref_slice %arg9[%scan3A_363, %get3A_498, %get3A_499] : memref<4x100x128xf32, #tpu.memory_space<vmem>> -> memref<1x100x128xf32, #tpu.memory_space<vmem>>
        %get3A_501 = tpu.memref_squeeze %get3A_500 : memref<1x100x128xf32, #tpu.memory_space<vmem>> -> memref<100x128xf32, #tpu.memory_space<vmem>>
        %get3A_502 = arith.index_cast %scan3A_388 : i32 to index
        %get3A_503 = arith.constant 96 : index
        %get3A_504 = tpu.vector_load %get3A_501[%get3A_502, %get3A_503] {strides = array<i32>} : memref<100x128xf32, #tpu.memory_space<vmem>>, vector<1x16xf32>,
        %get3A_505 = vector.shape_cast %get3A_504 : vector<1x16xf32> to vector<16xf32>
        %add3A_506 = arith.addf %get3A_505, %get3A_357 : vector<16xf32>
        %swap3A_507 = arith.constant 0 : i32
        %swap3A_508 = arith.constant 0 : i32
        %swap3A_509 = tpu.memref_slice %arg10[%scan3A_364, %swap3A_507, %swap3A_508] : memref<2x200x128xf32, #tpu.memory_space<vmem>> -> memref<1x200x128xf32, #tpu.memory_space<vmem>>
        %swap3A_510 = tpu.memref_squeeze %swap3A_509 : memref<1x200x128xf32, #tpu.memory_space<vmem>> -> memref<200x128xf32, #tpu.memory_space<vmem>>
        %swap3A_511 = arith.index_cast %add3A_390 : i32 to index
        %swap3A_512 = arith.constant 96 : index
        %swap3A_513 = tpu.vector_load %swap3A_510[%swap3A_511, %swap3A_512] {strides = array<i32>} : memref<200x128xf32, #tpu.memory_space<vmem>>, vector<1x16xf32>,
        %swap3A_514 = vector.shape_cast %swap3A_513 : vector<1x16xf32> to vector<16xf32>
        %swap3A_515 = vector.shape_cast %add3A_506 : vector<16xf32> to vector<1x16xf32>
        tpu.vector_store %swap3A_510[%swap3A_511, %swap3A_512], %swap3A_515 {strides = array<i32>} : memref<200x128xf32, #tpu.memory_space<vmem>>, vector<1x16xf32>,
        %get3A_516 = arith.constant 0 : i32
        %get3A_517 = arith.constant 0 : i32
        %get3A_518 = tpu.memref_slice %arg9[%scan3A_363, %get3A_516, %get3A_517] : memref<4x100x128xf32, #tpu.memory_space<vmem>> -> memref<1x100x128xf32, #tpu.memory_space<vmem>>
        %get3A_519 = tpu.memref_squeeze %get3A_518 : memref<1x100x128xf32, #tpu.memory_space<vmem>> -> memref<100x128xf32, #tpu.memory_space<vmem>>
        %get3A_520 = arith.index_cast %scan3A_388 : i32 to index
        %get3A_521 = arith.constant 112 : index
        %get3A_522 = tpu.vector_load %get3A_519[%get3A_520, %get3A_521] {strides = array<i32>} : memref<100x128xf32, #tpu.memory_space<vmem>>, vector<1x16xf32>,
        %get3A_523 = vector.shape_cast %get3A_522 : vector<1x16xf32> to vector<16xf32>
        %add3A_524 = arith.addf %get3A_523, %get3A_361 : vector<16xf32>
        %swap3A_525 = arith.constant 0 : i32
        %swap3A_526 = arith.constant 0 : i32
        %swap3A_527 = tpu.memref_slice %arg10[%scan3A_364, %swap3A_525, %swap3A_526] : memref<2x200x128xf32, #tpu.memory_space<vmem>> -> memref<1x200x128xf32, #tpu.memory_space<vmem>>
        %swap3A_528 = tpu.memref_squeeze %swap3A_527 : memref<1x200x128xf32, #tpu.memory_space<vmem>> -> memref<200x128xf32, #tpu.memory_space<vmem>>
        %swap3A_529 = arith.index_cast %add3A_390 : i32 to index
        %swap3A_530 = arith.constant 112 : index
        %swap3A_531 = tpu.vector_load %swap3A_528[%swap3A_529, %swap3A_530] {strides = array<i32>} : memref<200x128xf32, #tpu.memory_space<vmem>>, vector<1x16xf32>,
        %swap3A_532 = vector.shape_cast %swap3A_531 : vector<1x16xf32> to vector<16xf32>
        %swap3A_533 = vector.shape_cast %add3A_524 : vector<16xf32> to vector<1x16xf32>
        tpu.vector_store %swap3A_528[%swap3A_529, %swap3A_530], %swap3A_533 {strides = array<i32>} : memref<200x128xf32, #tpu.memory_space<vmem>>, vector<1x16xf32>,
      }
      %scan3A_369 = arith.constant 100 : i32
      %add3A_370 = arith.addi %mul3A_2, %add3A_308 : i32
      %dma_start3A_371 = arith.constant 1 : i32
      %dma_start3A_372 = arith.constant 0 : i32
      %dma_start3A_373 = arith.constant 0 : i32
      %dma_start3A_374 = tpu.memref_slice %arg10[%dma_start3A_371, %dma_start3A_372, %dma_start3A_373] : memref<2x200x128xf32, #tpu.memory_space<vmem>> -> memref<1x200x128xf32, #tpu.memory_space<vmem>>
      %dma_start3A_375 = tpu.memref_squeeze %dma_start3A_374 : memref<1x200x128xf32, #tpu.memory_space<vmem>> -> memref<200x128xf32, #tpu.memory_space<vmem>>
      %dma_start3A_376 = arith.constant 0 : i32
      %dma_start3A_377 = arith.constant 0 : i32
      %dma_start3A_378 = tpu.memref_slice %arg6[%add3A_370, %dma_start3A_376, %dma_start3A_377] : memref<1024x200x128xf32, #tpu.memory_space<hbm>> -> memref<1x200x128xf32, #tpu.memory_space<hbm>>
      %dma_start3A_379 = tpu.memref_squeeze %dma_start3A_378 : memref<1x200x128xf32, #tpu.memory_space<hbm>> -> memref<200x128xf32, #tpu.memory_space<hbm>>
      %dma_start3A_380 = arith.constant 0 : i32
      %dma_start3A_381 = arith.constant 0 : i32
      %dma_start3A_382 = tpu.memref_slice %arg6[%add3A_370, %dma_start3A_380, %dma_start3A_381] : memref<1024x200x128xf32, #tpu.memory_space<hbm>> -> memref<1x200x128xf32, #tpu.memory_space<hbm>>
      %dma_start3A_383 = tpu.memref_squeeze %dma_start3A_382 : memref<1x200x128xf32, #tpu.memory_space<hbm>> -> memref<200x128xf32, #tpu.memory_space<hbm>>
      %dma_start3A_384 = arith.constant 0 : i32
      %dma_start3A_385 = arith.constant 0 : i32
      %dma_start3A_386 = tpu.memref_slice %arg10[%dma_start3A_371, %dma_start3A_384, %dma_start3A_385] : memref<2x200x128xf32, #tpu.memory_space<vmem>> -> memref<1x200x128xf32, #tpu.memory_space<vmem>>
      %dma_start3A_387 = tpu.memref_squeeze %dma_start3A_386 : memref<1x200x128xf32, #tpu.memory_space<vmem>> -> memref<200x128xf32, #tpu.memory_space<vmem>>
      tpu.enqueue_dma source(%dma_start3A_387 : memref<200x128xf32, #tpu.memory_space<vmem>>) target(%dma_start3A_383 : memref<200x128xf32, #tpu.memory_space<hbm>>) target_semaphore(%arg17 : memref<!tpu.dma_semaphore, #tpu.memory_space<semaphore_mem>>)
    }
    %scan3A_37 = arith.constant 16 : i32
    %dma_wait3A_38 = arith.constant 0 : i32
    %dma_wait3A_39 = arith.constant 0 : i32
    %dma_wait3A_40 = arith.constant 0 : i32
    %dma_wait3A_41 = tpu.memref_slice %arg10[%dma_wait3A_38, %dma_wait3A_39, %dma_wait3A_40] : memref<2x200x128xf32, #tpu.memory_space<vmem>> -> memref<1x200x128xf32, #tpu.memory_space<vmem>>
    %dma_wait3A_42 = tpu.memref_squeeze %dma_wait3A_41 : memref<1x200x128xf32, #tpu.memory_space<vmem>> -> memref<200x128xf32, #tpu.memory_space<vmem>>
    %dma_wait3A_43 = arith.constant 0 : i32
    %dma_wait3A_44 = arith.constant 0 : i32
    %dma_wait3A_45 = tpu.memref_slice %arg6[%mul3A_2, %dma_wait3A_43, %dma_wait3A_44] : memref<1024x200x128xf32, #tpu.memory_space<hbm>> -> memref<1x200x128xf32, #tpu.memory_space<hbm>>
    %dma_wait3A_46 = tpu.memref_squeeze %dma_wait3A_45 : memref<1x200x128xf32, #tpu.memory_space<hbm>> -> memref<200x128xf32, #tpu.memory_space<hbm>>
    %dma_wait3A_47 = arith.constant 0 : i32
    %dma_wait3A_48 = arith.constant 0 : i32
    %dma_wait3A_49 = tpu.memref_slice %arg6[%mul3A_2, %dma_wait3A_47, %dma_wait3A_48] : memref<1024x200x128xf32, #tpu.memory_space<hbm>> -> memref<1x200x128xf32, #tpu.memory_space<hbm>>
    %dma_wait3A_50 = tpu.memref_squeeze %dma_wait3A_49 : memref<1x200x128xf32, #tpu.memory_space<hbm>> -> memref<200x128xf32, #tpu.memory_space<hbm>>
    %dma_wait3A_51 = arith.constant 0 : i32
    %dma_wait3A_52 = arith.constant 0 : i32
    %dma_wait3A_53 = tpu.memref_slice %arg10[%dma_wait3A_38, %dma_wait3A_51, %dma_wait3A_52] : memref<2x200x128xf32, #tpu.memory_space<vmem>> -> memref<1x200x128xf32, #tpu.memory_space<vmem>>
    %dma_wait3A_54 = tpu.memref_squeeze %dma_wait3A_53 : memref<1x200x128xf32, #tpu.memory_space<vmem>> -> memref<200x128xf32, #tpu.memory_space<vmem>>
    tpu.wait_dma2 semaphore(%arg16 : memref<!tpu.dma_semaphore, #tpu.memory_space<semaphore_mem>>) src(%dma_wait3A_54 : memref<200x128xf32, #tpu.memory_space<vmem>>) dst(%dma_wait3A_50 : memref<200x128xf32, #tpu.memory_space<hbm>>)
    %dma_wait3A_55 = arith.constant 1 : i32
    %dma_wait3A_56 = arith.constant 0 : i32
    %dma_wait3A_57 = arith.constant 0 : i32
    %dma_wait3A_58 = tpu.memref_slice %arg10[%dma_wait3A_55, %dma_wait3A_56, %dma_wait3A_57] : memref<2x200x128xf32, #tpu.memory_space<vmem>> -> memref<1x200x128xf32, #tpu.memory_space<vmem>>
    %dma_wait3A_59 = tpu.memref_squeeze %dma_wait3A_58 : memref<1x200x128xf32, #tpu.memory_space<vmem>> -> memref<200x128xf32, #tpu.memory_space<vmem>>
    %dma_wait3A_60 = arith.constant 0 : i32
    %dma_wait3A_61 = arith.constant 0 : i32
    %dma_wait3A_62 = tpu.memref_slice %arg6[%mul3A_2, %dma_wait3A_60, %dma_wait3A_61] : memref<1024x200x128xf32, #tpu.memory_space<hbm>> -> memref<1x200x128xf32, #tpu.memory_space<hbm>>
    %dma_wait3A_63 = tpu.memref_squeeze %dma_wait3A_62 : memref<1x200x128xf32, #tpu.memory_space<hbm>> -> memref<200x128xf32, #tpu.memory_space<hbm>>
    %dma_wait3A_64 = arith.constant 0 : i32
    %dma_wait3A_65 = arith.constant 0 : i32
    %dma_wait3A_66 = tpu.memref_slice %arg6[%mul3A_2, %dma_wait3A_64, %dma_wait3A_65] : memref<1024x200x128xf32, #tpu.memory_space<hbm>> -> memref<1x200x128xf32, #tpu.memory_space<hbm>>
    %dma_wait3A_67 = tpu.memref_squeeze %dma_wait3A_66 : memref<1x200x128xf32, #tpu.memory_space<hbm>> -> memref<200x128xf32, #tpu.memory_space<hbm>>
    %dma_wait3A_68 = arith.constant 0 : i32
    %dma_wait3A_69 = arith.constant 0 : i32
    %dma_wait3A_70 = tpu.memref_slice %arg10[%dma_wait3A_55, %dma_wait3A_68, %dma_wait3A_69] : memref<2x200x128xf32, #tpu.memory_space<vmem>> -> memref<1x200x128xf32, #tpu.memory_space<vmem>>
    %dma_wait3A_71 = tpu.memref_squeeze %dma_wait3A_70 : memref<1x200x128xf32, #tpu.memory_space<vmem>> -> memref<200x128xf32, #tpu.memory_space<vmem>>
    tpu.wait_dma2 semaphore(%arg17 : memref<!tpu.dma_semaphore, #tpu.memory_space<semaphore_mem>>) src(%dma_wait3A_71 : memref<200x128xf32, #tpu.memory_space<vmem>>) dst(%dma_wait3A_67 : memref<200x128xf32, #tpu.memory_space<hbm>>)
    return
  }
}

module attributes {stable_mosaic.version = 14 : i64} {
  func.func @_tc_body(%arg0: i32, %arg1: memref<5000x128xf32, #tpu.memory_space<vmem>>, %arg2: memref<32x128xf32, #tpu.memory_space<vmem>>, %arg3: memref<128x256xf32, #tpu.memory_space<vmem>>, %arg4: memref<1x128xf32, #tpu.memory_space<vmem>>, %arg5: memref<5000x128xf32, #tpu.memory_space<vmem>>, %arg6: memref<32x128xf32, #tpu.memory_space<vmem>>) attributes {dimension_semantics = [#tpu.dimension_semantics<arbitrary>], iteration_bounds = array<i64: 20>, scalar_prefetch = 0 : i64, scratch_operands = 0 : i64, tpu.core_type = #tpu.core_type<tc>, window_params = [{transform_indices = @transform_0, window_bounds = array<i64: 5000, 128>}, {pipeline_mode = #tpu.pipeline_mode<synchronous>, transform_indices = @transform_1, window_bounds = array<i64: 32, 128>}, {pipeline_mode = #tpu.pipeline_mode<synchronous>, transform_indices = @transform_2, window_bounds = array<i64: 128, 256>}, {pipeline_mode = #tpu.pipeline_mode<synchronous>, transform_indices = @transform_3, window_bounds = array<i64: 1, 128>}, {transform_indices = @transform_4, window_bounds = array<i64: 5000, 128>}, {pipeline_mode = #tpu.pipeline_mode<synchronous>, transform_indices = @transform_5, window_bounds = array<i64: 32, 128>}]} {
    %get3A = arith.constant 0 : index
    %get3A_0 = arith.constant 0 : index
    %get3A_1 = vector.load %arg3[%get3A, %get3A_0] : memref<128x256xf32, #tpu.memory_space<vmem>>, vector<128x256xf32>
    %get3A_2 = arith.constant 0 : index
    %get3A_3 = arith.constant 0 : index
    %get3A_4 = vector.load %arg1[%get3A_2, %get3A_3] : memref<5000x128xf32, #tpu.memory_space<vmem>>, vector<5000x128xf32>
    %slice3A = vector.extract_strided_slice %get3A_1 {offsets = [0, 0], sizes = [128, 128], strides = [1, 1]} : vector<128x256xf32> to vector<128x128xf32>
    %dot_general3A = arith.constant dense<0.000000e+00> : vector<5000x128xf32>
    %dot_general3A_5 = tpu.matmul %get3A_4, %slice3A, %dot_general3A {dimension_numbers = #tpu.dot_dimension_numbers<[1], [1], [0], [0], [0, 0, 1, 0], [], []>, transpose_lhs_hint = false} : vector<5000x128xf32>, vector<128x128xf32>, vector<5000x128xf32> -> vector<5000x128xf32>
    %swap3A = arith.constant 0 : index
    %swap3A_6 = arith.constant 0 : index
    %swap3A_7 = vector.load %arg5[%swap3A, %swap3A_6] : memref<5000x128xf32, #tpu.memory_space<vmem>>, vector<5000x128xf32>
    tpu.vector_store %arg5[%swap3A, %swap3A_6], %dot_general3A_5 {strides = array<i32>} : memref<5000x128xf32, #tpu.memory_space<vmem>>, vector<5000x128xf32>,
    %eq3A = arith.constant 0 : i32
    %eq3A_8 = arith.cmpi eq, %arg0, %eq3A : i32
    %convert_element_type3A = arith.extui %eq3A_8 : i1 to i32
    %cond3A = arith.constant 0 : i32
    %cond3A_9 = arith.cmpi ne, %convert_element_type3A, %cond3A : i32
    scf.if %cond3A_9 {
      %get3A_10 = arith.constant 0 : index
      %get3A_11 = arith.constant 0 : index
      %get3A_12 = vector.load %arg2[%get3A_10, %get3A_11] : memref<32x128xf32, #tpu.memory_space<vmem>>, vector<32x128xf32>
      %slice3A_13 = vector.extract_strided_slice %get3A_1 {offsets = [0, 128], sizes = [128, 128], strides = [1, 1]} : vector<128x256xf32> to vector<128x128xf32>
      %dot_general3A_14 = arith.constant dense<0.000000e+00> : vector<32x128xf32>
      %dot_general3A_15 = tpu.matmul %get3A_12, %slice3A_13, %dot_general3A_14 {dimension_numbers = #tpu.dot_dimension_numbers<[1], [1], [0], [0], [0, 0, 1, 0], [], []>, transpose_lhs_hint = false} : vector<32x128xf32>, vector<128x128xf32>, vector<32x128xf32> -> vector<32x128xf32>
      %get3A_16 = arith.constant 0 : index
      %get3A_17 = arith.constant 0 : index
      %get3A_18 = vector.load %arg4[%get3A_16, %get3A_17] : memref<1x128xf32, #tpu.memory_space<vmem>>, vector<1x128xf32>
      %add3A = vector.broadcast %get3A_18 : vector<1x128xf32> to vector<32x128xf32>
      %add3A_19 = arith.addf %dot_general3A_15, %add3A : vector<32x128xf32>
      %swap3A_20 = arith.constant 0 : index
      %swap3A_21 = arith.constant 0 : index
      %swap3A_22 = vector.load %arg6[%swap3A_20, %swap3A_21] : memref<32x128xf32, #tpu.memory_space<vmem>>, vector<32x128xf32>
      tpu.vector_store %arg6[%swap3A_20, %swap3A_21], %add3A_19 {strides = array<i32>} : memref<32x128xf32, #tpu.memory_space<vmem>>, vector<32x128xf32>,
    } else {
    }
    return
  }
  func.func @transform_0(%arg0: i32) -> (i32, i32) {
    %c0_i32 = arith.constant 0 : i32
    %c0_i32_0 = arith.constant 0 : i32
    return %arg0, %c0_i32 : i32, i32
  }
  func.func @transform_1(%arg0: i32) -> (i32, i32) {
    %c0_i32 = arith.constant 0 : i32
    %c0_i32_0 = arith.constant 0 : i32
    %c0_i32_1 = arith.constant 0 : i32
    return %c0_i32, %c0_i32_0 : i32, i32
  }
  func.func @transform_2(%arg0: i32) -> (i32, i32) {
    %c0_i32 = arith.constant 0 : i32
    %c0_i32_0 = arith.constant 0 : i32
    %c0_i32_1 = arith.constant 0 : i32
    return %c0_i32, %c0_i32_0 : i32, i32
  }
  func.func @transform_3(%arg0: i32) -> (i32, i32) {
    %c0_i32 = arith.constant 0 : i32
    %c0_i32_0 = arith.constant 0 : i32
    %c0_i32_1 = arith.constant 0 : i32
    return %c0_i32, %c0_i32_0 : i32, i32
  }
  func.func @transform_4(%arg0: i32) -> (i32, i32) {
    %c0_i32 = arith.constant 0 : i32
    %c0_i32_0 = arith.constant 0 : i32
    return %arg0, %c0_i32 : i32, i32
  }
  func.func @transform_5(%arg0: i32) -> (i32, i32) {
    %c0_i32 = arith.constant 0 : i32
    %c0_i32_0 = arith.constant 0 : i32
    %c0_i32_1 = arith.constant 0 : i32
    return %c0_i32, %c0_i32_0 : i32, i32
  }
}

</mosaic_0001>

<sc_bundles>
// kernel: kernel.4.cloned.1.call-start
scs
__scs_entry_jumppad:
0x0: {  	(pc) =	sbr.rel $0x88, $3  }
0x1: {  	(tag) =	ssettag $0x0;
	lr =	simm.s32 $0x1  }
0x2: {  	[smem:$0x3F9B] =	sst lr;
	_ =	strace $0xD0000000  }
0x3: {  	_ = 	snop  }
0x4: {  	_ = 	snop  }
0x5: {  	_ = 	snop  }
0x6: {  	_ = 	snop  }
0x7: {  	_ = 	snop  }
__scs_overlays_trampoline_lowered:
0x8: {  	[smem:$0x3FAA] =	sst s0  }
0x9: {  	[smem:$0x3FAB] =	sst s1  }
0xa: {  	[smem:$0x3FAC] =	sst s2  }
0xb: {  	[smem:$0x3FAD] =	sst s3  }
0xc: {  	[smem:$0x3FAE] =	sst s4  }
0xd: {  	[smem:$0x3FAF] =	sst s5  }
0xe: {  	[smem:$0x3FB0] =	sst s6  }
0xf: {  	[smem:$0x3FB1] =	sst s7  }
0x10: {  	[smem:$0x3FB2] =	sst s8  }
0x11: {  	[smem:$0x3FB3] =	sst s9;
	s0 =	simm.s32 @!p0 $0x0  }
0x12: {  	s1 =	sld [smem:$0x3F99];
	s0 =	simm.s32 @p0 $0x1  }
0x13: {  	[smem:$0x3FB4] =	sst s0;
	s0 =	simm.s32 @!p1 $0x0  }
0x14: {  	s2 =	sld [smem:$0x3F98];
	s0 =	simm.s32 @p1 $0x1  }
0x15: {  	[smem:$0x3FB5] =	sst s0;
	s0 =	simm.s32 @!p2 $0x0  }
0x16: {  	s3 =	sld [smem:$0x3FDB];
	s0 =	simm.s32 @p2 $0x1  }
0x17: {  	s4 =	simm.s32 $0x1BF5;
	[smem:$0x3FB7] =	sst s0  }
0x18: {  	s0 =	sld [smem:$0x3F9A];
	_ =	swait.ge [sflag:s4], $0x0  }
0x19: {  	s7 =	sld [smem:$0x3F9B]  }
0x1a: {  	s8 =	sadd.s32 $0xFFFFE003, lr  }
0x1b: {  	s9 =	sadd.s32 $0xFFFFFEF7, lr;
	s5 =	simm.s32 $0xFFFFFFFF;
	p2 =	slt.u32 s8, $0xFFFFF086  }
0x1c: {  	p1 =	slt.u32 s9, $0xF7A;
	s5 =	simm.s32 @!p2 $0x0  }
0x1d: {  	s5 =	simm.s32 @p1 $0x1;
	p0 =	seq.s32 s7, s2  }
0x1e: {  	s7 =	smul.u32 @!p0 $0xF7A, s2;
	p2 =	seq.s32 @!p0 s5, $0x0  }
0x1f: {  	s9 =	smul.u32 $0xF7A, s1;
	s8 =	simm.s32 @!p0 $0x1BF5;
	p2 =	por !p2, p0  }
0x20: {  	[sflag:s8] =	ssyncset.s32 @!p0 $0xFFFFF086;
	s6 =	sadd.s32 @!p0 s3, s7;
	s7 =	simm.s32 @!p0 $0x108  }
0x21: {  	s3 =	sadd.s32 s3, s9;
	s6 =	sadd.s32 @!p0 $0x88, s6;
	s7 =	simm.s32 @p2 $0x1082  }
0x22: {  	[simem:s7], [sflag:s8] =	dma.local @!p0 [hbm:s6], $0xF7A  }
0x23: {  	s9 =	sor.u32 $0xD0000000, s2;
	s6 =	simm.s32 $0x108;
	_ =	swait.ge @!p0 [sflag:s8], $0x0  }
0x24: {  	s3 =	sadd.s32 $0x88, s3;
	s6 =	simm.s32 @!p1 $0x1082;
	[sflag:s4] =	ssyncset.s32 $0xFFFFF086  }
0x25: {  	[simem:s6], [sflag:s4] =	dma.local [hbm:s3], $0xF7A  }
0x26: {  	[smem:$0x3F9B] =	sst s1;
	(tag) =	ssettag s2;
	_ =	strace s9  }
0x27: {  	s1 =	sld [smem:$0x3FAB]  }
0x28: {  	s2 =	sld [smem:$0x3FAC]  }
0x29: {  	s4 =	sld [smem:$0x3FAE]  }
0x2a: {  	p0 =	seq.s32 s5, $0x0;
	s5 =	sld [smem:$0x3FAF]  }
0x2b: {  	s6 =	sld [smem:$0x3FB0]  }
0x2c: {  	s7 =	sld [smem:$0x3FB1]  }
0x2d: {  	s3 =	simm.s32 $0x108;
	s8 =	sld [smem:$0x3FB2]  }
0x2e: {  	s3 =	simm.s32 @!p0 $0x1082;
	s9 =	sld [smem:$0x3FB3]  }
0x2f: {  	lr =	sadd.s32 s0, s3;
	s0 =	sld [smem:$0x3FAA]  }
0x30: {  	s3 =	sld [smem:$0x3FAD]  }
0x31: {  	[smem:$0x3FB6] =	sst s10  }
0x32: {  	s10 =	sld [smem:$0x3FB4];
	_ =	sdelay $0x3  }
0x33: {  	p0 =	seq.s32 s10, $0x1;
	s10 =	sld [smem:$0x3FB6];
	_ =	sdelay $0x3  }
0x34: {  	[smem:$0x3FB6] =	sst s10  }
0x35: {  	s10 =	sld [smem:$0x3FB5];
	_ =	sdelay $0x3  }
0x36: {  	p1 =	seq.s32 s10, $0x1;
	s10 =	sld [smem:$0x3FB6];
	_ =	sdelay $0x3  }
0x37: {  	[smem:$0x3FB6] =	sst s10  }
0x38: {  	s10 =	sld [smem:$0x3FB7]  }
0x39: {  	_ = 	snop;
	(pc) =	sbr.ind lr, $3  }
0x3a: {  	_ = 	snop  }
0x3b: {  	_ = 	snop  }
0x3c: {  	p2 =	seq.s32 s10, $0x1;
	s10 =	sld [smem:$0x3FB6]  }
0x3d: {  	_ =	shalt  }
0x3e: {  	_ =	shalt  }
0x3f: {  	_ =	shalt  }
0x40: {  	_ =	shalt  }
0x41: {  	_ =	shalt  }
0x42: {  	_ =	shalt  }
0x43: {  	_ =	shalt  }
0x44: {  	_ =	shalt  }
0x45: {  	_ =	shalt  }
0x46: {  	_ =	shalt  }
0x47: {  	_ =	shalt  }
0x48: {  	_ =	shalt  }
0x49: {  	_ =	shalt  }
0x4a: {  	_ =	shalt  }
0x4b: {  	_ =	shalt  }
0x4c: {  	_ =	shalt  }
0x4d: {  	_ =	shalt  }
0x4e: {  	_ =	shalt  }
0x4f: {  	_ =	shalt  }
0x50: {  	_ =	shalt  }
0x51: {  	_ =	shalt  }
0x52: {  	_ =	shalt  }
0x53: {  	_ =	shalt  }
0x54: {  	_ =	shalt  }
0x55: {  	_ =	shalt  }
0x56: {  	_ =	shalt  }
0x57: {  	_ =	shalt  }
0x58: {  	_ =	shalt  }
0x59: {  	_ =	shalt  }
0x5a: {  	_ =	shalt  }
0x5b: {  	_ =	shalt  }
0x5c: {  	_ =	shalt  }
0x5d: {  	_ =	shalt  }
0x5e: {  	_ =	shalt  }
0x5f: {  	_ =	shalt  }
0x60: {  	_ =	shalt  }
0x61: {  	_ =	shalt  }
0x62: {  	_ =	shalt  }
0x63: {  	_ =	shalt  }
0x64: {  	_ =	shalt  }
0x65: {  	_ =	shalt  }
0x66: {  	_ =	shalt  }
0x67: {  	_ =	shalt  }
0x68: {  	_ =	shalt  }
0x69: {  	_ =	shalt  }
0x6a: {  	_ =	shalt  }
0x6b: {  	_ =	shalt  }
0x6c: {  	_ =	shalt  }
0x6d: {  	_ =	shalt  }
0x6e: {  	_ =	shalt  }
0x6f: {  	_ =	shalt  }
0x70: {  	_ =	shalt  }
0x71: {  	_ =	shalt  }
0x72: {  	_ =	shalt  }
0x73: {  	_ =	shalt  }
0x74: {  	_ =	shalt  }
0x75: {  	_ =	shalt  }
0x76: {  	_ =	shalt  }
0x77: {  	_ =	shalt  }
0x78: {  	_ =	shalt  }
0x79: {  	_ =	shalt  }
0x7a: {  	_ =	shalt  }
0x7b: {  	_ =	shalt  }
0x7c: {  	_ =	shalt  }
0x7d: {  	_ =	shalt  }
0x7e: {  	_ =	shalt  }
0x7f: {  	_ =	shalt  }
0x80: {  	_ =	shalt  }
0x81: {  	_ =	shalt  }
0x82: {  	_ =	shalt  }
0x83: {  	_ =	shalt  }
0x84: {  	_ =	shalt  }
0x85: {  	_ =	shalt  }
0x86: {  	_ =	shalt  }
0x87: {  	_ =	shalt  }
.Lfunc_end0:
.L_simem_size_0:
called_computation_lowered:
.L_overlay_start_0:
0x88: {  	s2 =	sld [smem:$0x3FD9]  }
0x89: {  	s3 =	sld [smem:$0x3FFE];
	_ =	sdelay $0x1  }
0x8a: {  	s1 =	srdreg.scid  }
0x8b: {  	s0 =	sand.u32 $0x1, s1  }
0x8c: {  	s17 =	sshll.u32 s0, $0xA;
	s2 =	sadd.s32 s3, s2  }
0x8d: {  	s2 =	sadd.s32 s2, s17  }
0x8e: {  	[smem:$0x3FC2] =	sst s2  }
0x8f: {  	_ = 	snop  }
0x90: {  	s2 =	sld [smem:$0x3FC8]  }
0x91: {  	s18 =	sld [smem:$0x3FD0];
	(tm) =	ssettm $0x1  }
0x92: {  	s4 =	sld [smem:$0x3FFB];
	_ =	sdelay $0x3  }
0x93: {  	_ =	strace s4  }
0x94: {  	s4 =	sld [smem:$0x3FFC];
	_ =	sdelay $0x3  }
0x95: {  	_ =	strace s4  }
0x96: {  	s4 =	sld [smem:$0x3FFD];
	_ =	sdelay $0x3  }
0x97: {  	_ =	strace s4  }
0x98: {  	_ =	strace $0x8FFFFFFF  }
0x99: {  	s19 =	sld [smem:$0x3FDB];
	_ =	sdelay $0x1  }
0x9a: {  	s5 =	simm.s32 $_scs_section_size  }
0x9b: {  	s6 =	simm.s32 $_size__tile_overlayer_lowered;
	s7 =	simm.s32 $_tile_overlayer_lowered  }
0x9c: {  	s22 =	simm.s32 $0x1BFF;
	s21 =	sshll.u32 s7, $0x1;
	s4 =	sadd.s32 s5, s19  }
0x9d: {  	s8 =	simm.s32 $0x0;
	s20 =	sshll.u32 s6, $0x1;
	s6 =	sadd.s32 s21, s4  }
0x9e: {  	[timem:s8], [sflag:s22] =	dma.local [hbm:s6], s20  }
0x9f: {  	_ =	swait.ge [sflag:s22], s20  }
0xa0: {  	s5 =	ssub.s32 $0x0, s20;
	[sflag:s22] =	ssyncset.done $0x0  }
0xa1: {  	[sflag:s22] =	ssyncadd.s32 s5;
	_ =	sdelay $0x1  }
0xa2: {  	s23 =	simm.s32 $0x1B8B  }
0xa3: {  	_ =	swait.ge [sflag:s23], $0x1  }
0xa4: {  	[sflag:s23] =	ssyncset.done $0x0  }
0xa5: {  	s25 =	simm.s32 $0x1B8E;
	s24 =	sld [smem:$0x3FFE];
	[sflag:s23] =	ssyncadd.s32 $0xFFFFFFFF  }
0xa6: {  	s26 =	simm.s32 $execute0_lowered;
	[smem:$0x3FD2] =	sst s25  }
0xa7: {  	s6 =	sshll.u32 s26, $0x1;
	_ =	strace $0x80000046;
	[dreg:$0x1] =	wrdreg $0xFFFFFFFF  }
0xa8: {  	s28 =	simm.s32 $_size_execute0_lowered;
	s4 =	sadd.s32 s4, s6;
	[dreg:$0x0] =	wrdreg $0x0  }
0xa9: {  	s6 =	sshll.u32 s28, $0x1;
	[dreg:$0x2] =	wrdreg s4  }
0xaa: {  	[dreg:$0x3] =	wrdreg s6  }
0xab: {  	[dreg:$0x4] =	wrdreg $0xC0  }
0xac: {  	_ =	task [dreg:s8], $0x5FFFF  }
0xad: {  	[dreg:$0x1] =	wrdreg $0xFFFFFFFF  }
0xae: {  	[dreg:$0x0] =	wrdreg $0x60  }
0xaf: {  	[dreg:$0x2] =	wrdreg s24  }
0xb0: {  	[dreg:$0x3] =	wrdreg s2  }
0xb1: {  	[dreg:$0x4] =	wrdreg s18  }
0xb2: {  	[dreg:$0x5] =	wrdreg $0x9  }
0xb3: {  	_ =	task.clear_ibuf [dreg:s8], $0x6FFFF;
	_ =	strace $0x90000046  }
0xb4: {  	s29 =	simm.s32 $0x9;
	_ =	strace $0x80000048  }
0xb5: {  	_ =	swait.ge [sflag:s29], $0x1  }
0xb6: {  	[sflag:s29] =	ssyncadd.s32 $0xFFFFFFFF  }
0xb7: {  	_ =	strace $0x90000048  }
0xb8: {  	_ =	sfence  }
0xb9: {  	s30 =	sld [smem:$0x0];
	_ =	sdelay $0x2  }
0xba: {  	s31 =	sshll.u32 s1, $0xD;
	s1 =	sshrl.u32 s1, $0x2  }
0xbb: {  	s3 =	sand.u32 $0x4000, s31;
	s1 =	sadd.s32 s1, s30  }
0xbc: {  	s0 =	sor.u32 s3, s0;
	s1 =	sshll.u32 s1, $0x11  }
0xbd: {  	s0 =	sor.u32 s1, s0  }
0xbe: {  	s0 =	sadd.s32 $0x8F2B, s0  }
0xbf: {  	[sflag:s0] =	ssyncadd.remote.s32 $0x1  }
0xc0: {  	_ =	sfence.sel $0xFFFF  }
0xc1: {  	[dreg:$0x0] =	wrdreg $0xFFFFFFFF;
	(pc) =	sbr.abs _section_cstart, $3  }
0xc2: {  	[dreg:$0x1] =	wrdreg $0xFFFFFFFF  }
0xc3: {  	_ =	task.clear_ibuf [dreg:s8], $0x2FFFF;
	_ =	strace $0x9FFFFFFF  }
0xc4: {  	(tm) =	ssettm $0x7FFFFFFF  }
0xc5: {  	_ =	shalt  }
tec
execute0_lowered:
.L_overlay_start_1:
0x0: {  	(tag) =	ssettag $0x1  }
0x1: {  	s0 =	rddreg [dreg:$0x0]  }
0x2: {  	s1 =	srdreg.scid;
	s8 =	rddreg [dreg:$0x1]  }
0x3: {  	s3 =	stileid.u32;
	s2 =	rddreg [dreg:$0x2]  }
0x4: {  	s10 =	simm.s32 $0x7;
	s11 =	simm.s32 $0x2000;
	s14 =	simm.s32 $0x1  }
0x5: {  	s15 =	simm.s32 $0x64;
	s18 =	simm.s32 $0x5480;
	s19 =	simm.s32 $0x8880  }
0x6: {  	s20 =	simm.s32 $0x2;
	s21 =	simm.s32 $0xBC80;
	s22 =	simm.s32 $0xF080  }
0x7: {  	s23 =	simm.s32 $0x3;
	s24 =	simm.s32 $0x4;
	s25 =	simm.s32 $0x15480  }
0x8: {  	s26 =	simm.s32 $0x5;
	s28 =	simm.s32 $0x6;
	s29 =	simm.s32 $0x0  }
0x9: {  	s1 =	sand.u32 $0x1, s1;
	s4 =	sshll.u32 s3, $0x6;
	s3 =	simm.s32 $0x0  }
0xa: {  	s6 =	sadd.s32 $0x18F800, s0;
	s5 =	sshll.u32 s1, $0x5;
	[smem:$0x7FF] =	sst s3  }
0xb: {  	s1 =	ssub.s32 $0x2, s1;
	s4 =	sor.u32 s5, s4;
	_ =	strace $0x80000047  }
0xc: {  	s30 =	sshrl.u32 s1, $0x1;
	s5 =	sshll.u32 s4, $0x5;
	s31 =	sshrl.u32 s4, $0x3  }
0xd: {  	s7 =	sadd.s32 s5, s0;
	s5 =	sadd.s32 $0x8E00, s0;
	s0 =	ssub.s32 s1, s30  }
0xe: {  	s8 =	sadd.s32 s8, s31;
	s7 =	sadd.s32 $0xE00, s7;
	s9 =	smax.u32 s0, $0x1  }
.LBB2_1:
0xf: {  	[tilespmem:s3], [sflag:$0x7] =	stream.linear.gather [hbm4b:s7+s3], $0x2000, $0x38;
	[tilespmem:$0x1C880] =	vst v63  }
0x10: {  	_ =	swait.ge [sflag:s10], $0x2000  }
0x11: {  	[sflag:s10] =	ssyncset.done $0x0  }
0x12: {  	[sflag:s10] =	ssyncadd.s32 $0xFFFFE000  }
0x13: {  	[tilespmem:s11], [sflag:$0x7] =	stream.linear.gather [hbm4b:s8+s3], $0x20, $0x38;
	[tilespmem:$0x1C880] =	vst v63  }
0x14: {  	_ =	swait.ge [sflag:s10], $0x20  }
0x15: {  	[sflag:s10] =	ssyncset.done $0x0  }
0x16: {  	s0 =	simm.s32 $0x20;
	s1 =	simm.s32 $0x1B880;
	[sflag:s10] =	ssyncadd.s32 $0xFFFFFFE0  }
0x17: {  	[tilespmem:s1], [sflag:$0x1] =	stream.indirect.gather [hbm4b:s6+s0], $0x80, s11, s0, $0xb8;
	[tilespmem:$0x1C880] =	vst v63  }
0x18: {  	_ =	swait.ge [sflag:s14], $0x1000  }
0x19: {  	[sflag:s14] =	ssyncset.done $0x0  }
0x1a: {  	s17 =	simm.s32 $0x2080;
	[sflag:s14] =	ssyncadd.s32 $0xFFFFF000  }
0x1b: {  	[tilespmem:s17], [sflag:$0x1] =	stream.indirect.gather [hbm4b:s5+s15], $0x80, s3, s15, $0xb8;
	[tilespmem:$0x1C880] =	vst v63  }
0x1c: {  	s31 =	simm.s32 $0x80;
	s30 =	simm.s32 $0x0  }
0x1d: {  	[tilespmem:s18], [sflag:$0x2] =	stream.indirect.gather [hbm4b:s5+s15], $0x80, s31, s15, $0xb8;
	[tilespmem:$0x1C880] =	vst v63  }
.LBB2_2:
0x1e: {  	_ =	swait.ge [sflag:s14], $0x3200;
	s31 =	sshllo.u32 s30, $0x1  }
0x1f: {  	p0 =	seq.s32 s30, $0x0;
	[sflag:s14] =	ssyncset.done $0x0;
	s0 =	sshll.u32 s31, $0x8  }
0x20: {  	[sflag:s14] =	ssyncadd.s32 $0xFFFFCE00;
	s12 =	sand.u32 $0x3FFFFF00, s0;
	s0 =	simm.s32 @!p0 $0x5  }
0x21: {  	[tilespmem:s19], [sflag:$0x3] =	stream.indirect.gather [hbm4b:s5+s15], $0x80, s12, s15, $0xb8;
	[tilespmem:$0x1C880] =	vst v63  }
0x22: {  	_ =	swait.ge @!p0 [sflag:s0], $0x6400  }
0x23: {  	s1 =	sshll.u32 s30, $0x8;
	[sflag:s0] =	ssyncset.done @!p0 $0x0  }
0x24: {  	[sflag:s0] =	ssyncadd.s32 @!p0 $0xFFFF9C00;
	s0 =	sand.u32 $0x3FFFFF00, s1  }
0x25: {  	v6 =	vld [tilespmem:s0+$0x1B880]  }
0x26: {  	v5 =	vld [tilespmem:s0+$0x1B890]  }
0x27: {  	v4 =	vld [tilespmem:s0+$0x1B8A0]  }
0x28: {  	v3 =	vld [tilespmem:s0+$0x1B8B0]  }
0x29: {  	v2 =	vld [tilespmem:s0+$0x1B8C0]  }
0x2a: {  	v1 =	vld [tilespmem:s0+$0x1B8D0]  }
0x2b: {  	v0 =	vld [tilespmem:s0+$0x1B8E0]  }
0x2c: {  	s16 =	simm.s32 $0x0;
	v7 =	vld [tilespmem:s0+$0x1B8F0]  }
0x2d: {  	v9 =	vld [tilespmem:s16+$0x20F0]  }
0x2e: {  	v13 =	vld [tilespmem:s16+$0x2080]  }
0x2f: {  	v14 =	vld [tilespmem:s16+$0x2090]  }
0x30: {  	v12 =	vld [tilespmem:s16+$0x20A0]  }
0x31: {  	v11 =	vld [tilespmem:s16+$0x20B0]  }
0x32: {  	v8 =	vld [tilespmem:s16+$0x20C0];
	v15 =	vadd.f32 v9, v7  }
0x33: {  	v9 =	vld [tilespmem:s16+$0x20D0];
	v13 =	vadd.f32 v13, v6  }
0x34: {  	s13 =	simm.s32 $0x80;
	s17 =	simm.s32 $0x400;
	s1 =	sshll.u32 s30, $0x1;
	v10 =	vld [tilespmem:s16+$0x20E0];
	v14 =	vadd.f32 v14, v5;
	[tilespmem:s16+$0xF0F0] =	vst v15  }
.LBB2_3:
0x35: {  	p0 =	sne.s32 s17, $0xC600;
	v15 =	vld [tilespmem:s13+$0x20F0];
	[tilespmem:s16+$0xF080] =	vst v13;
	v12 =	vadd.f32 v12, v4  }
0x36: {  	v13 =	vld [tilespmem:s13+$0x2080];
	[tilespmem:s16+$0xF090] =	vst v14;
	v11 =	vadd.f32 v11, v3  }
0x37: {  	v14 =	vld [tilespmem:s13+$0x2090];
	[tilespmem:s16+$0xF0A0] =	vst v12;
	v8 =	vadd.f32 v8, v2  }
.Ltmp0:
0x38: {  	v12 =	vld [tilespmem:s13+$0x20A0];
	[tilespmem:s16+$0xF0B0] =	vst v11;
	v9 =	vadd.f32 v9, v1;
	(pc) =	sbr.rel @p0 .LBB2_3-.Ltmp0, $4  }
0x39: {  	v11 =	vld [tilespmem:s13+$0x20B0];
	[tilespmem:s16+$0xF0C0] =	vst v8;
	v10 =	vadd.f32 v10, v0  }
0x3a: {  	v8 =	vld [tilespmem:s13+$0x20C0];
	v15 =	vadd.f32 v15, v7;
	[tilespmem:s16+$0xF0D0] =	vst v9  }
0x3b: {  	v13 =	vadd.f32 v13, v6;
	v9 =	vld [tilespmem:s13+$0x20D0];
	[tilespmem:s16+$0xF0E0] =	vst v10;
	s16 =	smov.u32 s13  }
0x3c: {  	s13 =	sshra.s32 s17, $0x2;
	s17 =	sadd.s32 $0x200, s17;
	v14 =	vadd.f32 v14, v5;
	v10 =	vld [tilespmem:s16+$0x20E0];
	[tilespmem:s16+$0xF0F0] =	vst v15  }
0x3d: {  	v15 =	vld [tilespmem:s13+$0x20F0];
	[tilespmem:s16+$0xF080] =	vst v13;
	v12 =	vadd.f32 v12, v4  }
0x3e: {  	v13 =	vld [tilespmem:s13+$0x2080];
	[tilespmem:s16+$0xF090] =	vst v14;
	v11 =	vadd.f32 v11, v3  }
0x3f: {  	v14 =	vld [tilespmem:s13+$0x2090];
	[tilespmem:s16+$0xF0A0] =	vst v12;
	v8 =	vadd.f32 v8, v2  }
0x40: {  	v12 =	vld [tilespmem:s13+$0x20A0];
	[tilespmem:s16+$0xF0B0] =	vst v11;
	v9 =	vadd.f32 v9, v1  }
0x41: {  	v11 =	vld [tilespmem:s13+$0x20B0];
	[tilespmem:s16+$0xF0C0] =	vst v8;
	v10 =	vadd.f32 v10, v0  }
0x42: {  	v8 =	vld [tilespmem:s13+$0x20C0];
	[tilespmem:s16+$0xF0D0] =	vst v9;
	v7 =	vadd.f32 v15, v7  }
0x43: {  	v9 =	vld [tilespmem:s13+$0x20D0];
	[tilespmem:s16+$0xF0E0] =	vst v10;
	v6 =	vadd.f32 v13, v6  }
0x44: {  	v10 =	vld [tilespmem:s13+$0x20E0];
	v5 =	vadd.f32 v14, v5;
	[tilespmem:s13+$0xF0F0] =	vst v7  }
0x45: {  	[tilespmem:s13+$0xF080] =	vst v6;
	v4 =	vadd.f32 v12, v4  }
0x46: {  	[tilespmem:s13+$0xF090] =	vst v5;
	v3 =	vadd.f32 v11, v3  }
0x47: {  	[tilespmem:s13+$0xF0A0] =	vst v4;
	v2 =	vadd.f32 v8, v2  }
0x48: {  	[tilespmem:s13+$0xF0B0] =	vst v3;
	v1 =	vadd.f32 v9, v1  }
0x49: {  	[tilespmem:s13+$0xF0C0] =	vst v2;
	v0 =	vadd.f32 v10, v0  }
0x4a: {  	[tilespmem:s13+$0xF0D0] =	vst v1  }
0x4b: {  	[tilespmem:s13+$0xF0E0] =	vst v0  }
0x4c: {  	_ =	swait.ge [sflag:s20], $0x3200  }
0x4d: {  	[sflag:s20] =	ssyncset.done $0x0  }
0x4e: {  	s12 =	sadd.s32 $0x80, s12;
	[sflag:s20] =	ssyncadd.s32 $0xFFFFCE00  }
0x4f: {  	[tilespmem:s21], [sflag:$0x4] =	stream.indirect.gather [hbm4b:s5+s15], $0x80, s12, s15, $0xb8;
	[tilespmem:$0x1C880] =	vst v63  }
0x50: {  	v6 =	vld [tilespmem:s0+$0x1B880]  }
0x51: {  	v5 =	vld [tilespmem:s0+$0x1B890]  }
0x52: {  	v4 =	vld [tilespmem:s0+$0x1B8A0]  }
0x53: {  	v3 =	vld [tilespmem:s0+$0x1B8B0]  }
0x54: {  	v2 =	vld [tilespmem:s0+$0x1B8C0]  }
0x55: {  	v1 =	vld [tilespmem:s0+$0x1B8D0]  }
0x56: {  	v0 =	vld [tilespmem:s0+$0x1B8E0]  }
0x57: {  	s12 =	simm.s32 $0x0;
	v7 =	vld [tilespmem:s0+$0x1B8F0]  }
0x58: {  	v9 =	vld [tilespmem:s12+$0x54F0]  }
0x59: {  	v13 =	vld [tilespmem:s12+$0x5480]  }
0x5a: {  	v14 =	vld [tilespmem:s12+$0x5490]  }
0x5b: {  	v12 =	vld [tilespmem:s12+$0x54A0]  }
0x5c: {  	v11 =	vld [tilespmem:s12+$0x54B0]  }
0x5d: {  	v8 =	vld [tilespmem:s12+$0x54C0];
	v15 =	vadd.f32 v9, v7  }
0x5e: {  	v9 =	vld [tilespmem:s12+$0x54D0];
	v13 =	vadd.f32 v13, v6  }
0x5f: {  	s13 =	simm.s32 $0x400;
	v10 =	vld [tilespmem:s12+$0x54E0];
	s0 =	simm.s32 $0x80;
	v14 =	vadd.f32 v14, v5;
	[tilespmem:s12+$0x122F0] =	vst v15  }
.LBB2_5:
0x60: {  	p0 =	sne.s32 s13, $0xC600;
	v15 =	vld [tilespmem:s0+$0x54F0];
	[tilespmem:s12+$0x12280] =	vst v13;
	v12 =	vadd.f32 v12, v4  }
0x61: {  	v13 =	vld [tilespmem:s0+$0x5480];
	[tilespmem:s12+$0x12290] =	vst v14;
	v11 =	vadd.f32 v11, v3  }
0x62: {  	v14 =	vld [tilespmem:s0+$0x5490];
	[tilespmem:s12+$0x122A0] =	vst v12;
	v8 =	vadd.f32 v8, v2  }
.Ltmp1:
0x63: {  	v12 =	vld [tilespmem:s0+$0x54A0];
	[tilespmem:s12+$0x122B0] =	vst v11;
	v9 =	vadd.f32 v9, v1;
	(pc) =	sbr.rel @p0 .LBB2_5-.Ltmp1, $4  }
0x64: {  	v11 =	vld [tilespmem:s0+$0x54B0];
	[tilespmem:s12+$0x122C0] =	vst v8;
	v10 =	vadd.f32 v10, v0  }
0x65: {  	v8 =	vld [tilespmem:s0+$0x54C0];
	v15 =	vadd.f32 v15, v7;
	[tilespmem:s12+$0x122D0] =	vst v9  }
0x66: {  	v13 =	vadd.f32 v13, v6;
	v9 =	vld [tilespmem:s0+$0x54D0];
	[tilespmem:s12+$0x122E0] =	vst v10;
	s12 =	smov.u32 s0  }
0x67: {  	s0 =	sshra.s32 s13, $0x2;
	s13 =	sadd.s32 $0x200, s13;
	v14 =	vadd.f32 v14, v5;
	v10 =	vld [tilespmem:s12+$0x54E0];
	[tilespmem:s12+$0x122F0] =	vst v15  }
0x68: {  	v15 =	vld [tilespmem:s0+$0x54F0];
	[tilespmem:s12+$0x12280] =	vst v13;
	v12 =	vadd.f32 v12, v4  }
0x69: {  	v13 =	vld [tilespmem:s0+$0x5480];
	[tilespmem:s12+$0x12290] =	vst v14;
	v11 =	vadd.f32 v11, v3  }
0x6a: {  	v14 =	vld [tilespmem:s0+$0x5490];
	[tilespmem:s12+$0x122A0] =	vst v12;
	v8 =	vadd.f32 v8, v2  }
0x6b: {  	v12 =	vld [tilespmem:s0+$0x54A0];
	[tilespmem:s12+$0x122B0] =	vst v11;
	v9 =	vadd.f32 v9, v1  }
0x6c: {  	v11 =	vld [tilespmem:s0+$0x54B0];
	[tilespmem:s12+$0x122C0] =	vst v8;
	v10 =	vadd.f32 v10, v0  }
0x6d: {  	v8 =	vld [tilespmem:s0+$0x54C0];
	[tilespmem:s12+$0x122D0] =	vst v9;
	v7 =	vadd.f32 v15, v7  }
0x6e: {  	v9 =	vld [tilespmem:s0+$0x54D0];
	[tilespmem:s12+$0x122E0] =	vst v10;
	v6 =	vadd.f32 v13, v6  }
0x6f: {  	v10 =	vld [tilespmem:s0+$0x54E0];
	v5 =	vadd.f32 v14, v5;
	[tilespmem:s0+$0x122F0] =	vst v7  }
0x70: {  	[tilespmem:s0+$0x12280] =	vst v6;
	v4 =	vadd.f32 v12, v4  }
0x71: {  	[tilespmem:s0+$0x12290] =	vst v5;
	v3 =	vadd.f32 v11, v3  }
0x72: {  	[tilespmem:s0+$0x122A0] =	vst v4;
	v2 =	vadd.f32 v8, v2  }
0x73: {  	s13 =	sadd.s32 s4, s1;
	[tilespmem:s0+$0x122B0] =	vst v3;
	v1 =	vadd.f32 v9, v1  }
0x74: {  	s12 =	smul.u32 $0xC80, s13;
	[tilespmem:s0+$0x122C0] =	vst v2;
	v0 =	vadd.f32 v10, v0  }
0x75: {  	p0 =	seq.s32 s30, $0xF;
	[tilespmem:s0+$0x122D0] =	vst v1  }
0x76: {  	p1 =	seq.s32 @!p0 s30, $0x0;
	s16 =	sadd.s32 s2, s12;
	[tilespmem:s0+$0x122E0] =	vst v0  }
0x77: {  	[hbm4b:s16+s3] =	stream.linear.scatter [tilespmem:s22], [sflag:$0x5], $0x6400, $0x38;
	[tilespmem:$0x1C880] =	vst v63  }
0x78: {  	p1 =	por p0, !p1;
	s0 =	sadd.s32 $0x2, s1;
	_ =	swait.ge [sflag:s23], $0x3200  }
0x79: {  	s12 =	simm.s32 @!p0 $0x2080;
	s0 =	sshll.u32 @!p0 s0, $0x8;
	[sflag:s23] =	ssyncset.done $0x0  }
0x7a: {  	s1 =	sand.u32 @!p0 $0x3FFFFF00, s0;
	s0 =	simm.s32 @!p0 $0x64;
	[sflag:s23] =	ssyncadd.s32 $0xFFFFCE00  }
0x7b: {  	[tilespmem:s12], [sflag:$0x1] =	stream.indirect.gather @!p0 [hbm4b:s5+s0], $0x80, s1, s0, $0xb8;
	[tilespmem:$0x1C880] =	vst v63  }
0x7c: {  	_ =	swait.ge @p1 [sflag:s28], $0x6400  }
0x7d: {  	s17 =	sshll.u32 s31, $0x7;
	[sflag:s28] =	ssyncset.done @p1 $0x0  }
0x7e: {  	s0 =	sand.u32 $0x3FFFFF80, s17;
	[sflag:s28] =	ssyncadd.s32 @p1 $0xFFFF9C00  }
0x7f: {  	v6 =	vld [tilespmem:s0+$0x1B880]  }
0x80: {  	v5 =	vld [tilespmem:s0+$0x1B890]  }
0x81: {  	v4 =	vld [tilespmem:s0+$0x1B8A0]  }
0x82: {  	v3 =	vld [tilespmem:s0+$0x1B8B0]  }
0x83: {  	v2 =	vld [tilespmem:s0+$0x1B8C0]  }
0x84: {  	v1 =	vld [tilespmem:s0+$0x1B8D0]  }
0x85: {  	v0 =	vld [tilespmem:s0+$0x1B8E0]  }
0x86: {  	s13 =	simm.s32 $0x0;
	v7 =	vld [tilespmem:s0+$0x1B8F0]  }
0x87: {  	v9 =	vld [tilespmem:s13+$0x88F0]  }
0x88: {  	v13 =	vld [tilespmem:s13+$0x8880]  }
0x89: {  	v14 =	vld [tilespmem:s13+$0x8890]  }
0x8a: {  	v12 =	vld [tilespmem:s13+$0x88A0]  }
0x8b: {  	v11 =	vld [tilespmem:s13+$0x88B0]  }
0x8c: {  	v8 =	vld [tilespmem:s13+$0x88C0];
	v15 =	vadd.f32 v9, v7  }
0x8d: {  	v9 =	vld [tilespmem:s13+$0x88D0];
	v13 =	vadd.f32 v13, v6  }
0x8e: {  	s16 =	simm.s32 $0x400;
	s12 =	simm.s32 $0x80;
	v10 =	vld [tilespmem:s13+$0x88E0];
	v14 =	vadd.f32 v14, v5;
	[tilespmem:s13+$0x154F0] =	vst v15  }
.LBB2_7:
0x8f: {  	p1 =	sne.s32 s16, $0xC600;
	v15 =	vld [tilespmem:s12+$0x88F0];
	[tilespmem:s13+$0x15480] =	vst v13;
	v12 =	vadd.f32 v12, v4  }
0x90: {  	v13 =	vld [tilespmem:s12+$0x8880];
	[tilespmem:s13+$0x15490] =	vst v14;
	v11 =	vadd.f32 v11, v3  }
0x91: {  	v14 =	vld [tilespmem:s12+$0x8890];
	[tilespmem:s13+$0x154A0] =	vst v12;
	v8 =	vadd.f32 v8, v2  }
.Ltmp2:
0x92: {  	v12 =	vld [tilespmem:s12+$0x88A0];
	[tilespmem:s13+$0x154B0] =	vst v11;
	v9 =	vadd.f32 v9, v1;
	(pc) =	sbr.rel @p1 .LBB2_7-.Ltmp2, $4  }
0x93: {  	v11 =	vld [tilespmem:s12+$0x88B0];
	[tilespmem:s13+$0x154C0] =	vst v8;
	v10 =	vadd.f32 v10, v0  }
0x94: {  	v8 =	vld [tilespmem:s12+$0x88C0];
	v15 =	vadd.f32 v15, v7;
	[tilespmem:s13+$0x154D0] =	vst v9  }
0x95: {  	v13 =	vadd.f32 v13, v6;
	v9 =	vld [tilespmem:s12+$0x88D0];
	[tilespmem:s13+$0x154E0] =	vst v10;
	s13 =	smov.u32 s12  }
0x96: {  	s12 =	sshra.s32 s16, $0x2;
	s16 =	sadd.s32 $0x200, s16;
	v14 =	vadd.f32 v14, v5;
	v10 =	vld [tilespmem:s13+$0x88E0];
	[tilespmem:s13+$0x154F0] =	vst v15  }
0x97: {  	v15 =	vld [tilespmem:s12+$0x88F0];
	[tilespmem:s13+$0x15480] =	vst v13;
	v12 =	vadd.f32 v12, v4  }
0x98: {  	v13 =	vld [tilespmem:s12+$0x8880];
	[tilespmem:s13+$0x15490] =	vst v14;
	v11 =	vadd.f32 v11, v3  }
0x99: {  	v14 =	vld [tilespmem:s12+$0x8890];
	[tilespmem:s13+$0x154A0] =	vst v12;
	v8 =	vadd.f32 v8, v2  }
0x9a: {  	v12 =	vld [tilespmem:s12+$0x88A0];
	[tilespmem:s13+$0x154B0] =	vst v11;
	v9 =	vadd.f32 v9, v1  }
0x9b: {  	v11 =	vld [tilespmem:s12+$0x88B0];
	[tilespmem:s13+$0x154C0] =	vst v8;
	v10 =	vadd.f32 v10, v0  }
0x9c: {  	v8 =	vld [tilespmem:s12+$0x88C0];
	[tilespmem:s13+$0x154D0] =	vst v9;
	v7 =	vadd.f32 v15, v7  }
0x9d: {  	v9 =	vld [tilespmem:s12+$0x88D0];
	[tilespmem:s13+$0x154E0] =	vst v10;
	v6 =	vadd.f32 v13, v6  }
0x9e: {  	v10 =	vld [tilespmem:s12+$0x88E0];
	v5 =	vadd.f32 v14, v5;
	[tilespmem:s12+$0x154F0] =	vst v7  }
0x9f: {  	[tilespmem:s12+$0x15480] =	vst v6;
	v4 =	vadd.f32 v12, v4  }
0xa0: {  	[tilespmem:s12+$0x15490] =	vst v5;
	v3 =	vadd.f32 v11, v3  }
0xa1: {  	[tilespmem:s12+$0x154A0] =	vst v4;
	v2 =	vadd.f32 v8, v2  }
0xa2: {  	[tilespmem:s12+$0x154B0] =	vst v3;
	v1 =	vadd.f32 v9, v1  }
0xa3: {  	[tilespmem:s12+$0x154C0] =	vst v2;
	v0 =	vadd.f32 v10, v0  }
0xa4: {  	[tilespmem:s12+$0x154D0] =	vst v1  }
0xa5: {  	[tilespmem:s12+$0x154E0] =	vst v0  }
0xa6: {  	_ =	swait.ge [sflag:s24], $0x3200  }
0xa7: {  	s1 =	sor.u32 @!p0 $0x80, s1;
	[sflag:s24] =	ssyncset.done $0x0  }
0xa8: {  	s13 =	simm.s32 @!p0 $0x5480;
	s12 =	simm.s32 @!p0 $0x64;
	[sflag:s24] =	ssyncadd.s32 $0xFFFFCE00  }
0xa9: {  	[tilespmem:s13], [sflag:$0x2] =	stream.indirect.gather @!p0 [hbm4b:s5+s12], $0x80, s1, s12, $0xb8;
	[tilespmem:$0x1C880] =	vst v63  }
0xaa: {  	v6 =	vld [tilespmem:s0+$0x1B880]  }
0xab: {  	v5 =	vld [tilespmem:s0+$0x1B890]  }
0xac: {  	v4 =	vld [tilespmem:s0+$0x1B8A0]  }
0xad: {  	v3 =	vld [tilespmem:s0+$0x1B8B0]  }
0xae: {  	v2 =	vld [tilespmem:s0+$0x1B8C0]  }
0xaf: {  	v1 =	vld [tilespmem:s0+$0x1B8D0]  }
0xb0: {  	v0 =	vld [tilespmem:s0+$0x1B8E0]  }
0xb1: {  	s1 =	simm.s32 $0x0;
	v7 =	vld [tilespmem:s0+$0x1B8F0]  }
0xb2: {  	v9 =	vld [tilespmem:s1+$0xBCF0]  }
0xb3: {  	v13 =	vld [tilespmem:s1+$0xBC80]  }
0xb4: {  	v14 =	vld [tilespmem:s1+$0xBC90]  }
0xb5: {  	v12 =	vld [tilespmem:s1+$0xBCA0]  }
0xb6: {  	v11 =	vld [tilespmem:s1+$0xBCB0]  }
0xb7: {  	v8 =	vld [tilespmem:s1+$0xBCC0];
	v15 =	vadd.f32 v9, v7  }
0xb8: {  	v9 =	vld [tilespmem:s1+$0xBCD0];
	v13 =	vadd.f32 v13, v6  }
0xb9: {  	s12 =	simm.s32 $0x400;
	v10 =	vld [tilespmem:s1+$0xBCE0];
	s0 =	simm.s32 $0x80;
	v14 =	vadd.f32 v14, v5;
	[tilespmem:s1+$0x186F0] =	vst v15  }
.LBB2_9:
0xba: {  	p0 =	sne.s32 s12, $0xC600;
	v15 =	vld [tilespmem:s0+$0xBCF0];
	[tilespmem:s1+$0x18680] =	vst v13;
	v12 =	vadd.f32 v12, v4  }
0xbb: {  	v13 =	vld [tilespmem:s0+$0xBC80];
	[tilespmem:s1+$0x18690] =	vst v14;
	v11 =	vadd.f32 v11, v3  }
0xbc: {  	v14 =	vld [tilespmem:s0+$0xBC90];
	[tilespmem:s1+$0x186A0] =	vst v12;
	v8 =	vadd.f32 v8, v2  }
.Ltmp3:
0xbd: {  	v12 =	vld [tilespmem:s0+$0xBCA0];
	[tilespmem:s1+$0x186B0] =	vst v11;
	v9 =	vadd.f32 v9, v1;
	(pc) =	sbr.rel @p0 .LBB2_9-.Ltmp3, $4  }
0xbe: {  	v11 =	vld [tilespmem:s0+$0xBCB0];
	[tilespmem:s1+$0x186C0] =	vst v8;
	v10 =	vadd.f32 v10, v0  }
0xbf: {  	v8 =	vld [tilespmem:s0+$0xBCC0];
	v15 =	vadd.f32 v15, v7;
	[tilespmem:s1+$0x186D0] =	vst v9  }
0xc0: {  	v13 =	vadd.f32 v13, v6;
	v9 =	vld [tilespmem:s0+$0xBCD0];
	[tilespmem:s1+$0x186E0] =	vst v10;
	s1 =	smov.u32 s0  }
0xc1: {  	s0 =	sshra.s32 s12, $0x2;
	s12 =	sadd.s32 $0x200, s12;
	v14 =	vadd.f32 v14, v5;
	v10 =	vld [tilespmem:s1+$0xBCE0];
	[tilespmem:s1+$0x186F0] =	vst v15  }
0xc2: {  	v15 =	vld [tilespmem:s0+$0xBCF0];
	[tilespmem:s1+$0x18680] =	vst v13;
	v12 =	vadd.f32 v12, v4  }
0xc3: {  	v13 =	vld [tilespmem:s0+$0xBC80];
	[tilespmem:s1+$0x18690] =	vst v14;
	v11 =	vadd.f32 v11, v3  }
0xc4: {  	v14 =	vld [tilespmem:s0+$0xBC90];
	[tilespmem:s1+$0x186A0] =	vst v12;
	v8 =	vadd.f32 v8, v2  }
0xc5: {  	v12 =	vld [tilespmem:s0+$0xBCA0];
	[tilespmem:s1+$0x186B0] =	vst v11;
	v9 =	vadd.f32 v9, v1  }
0xc6: {  	v11 =	vld [tilespmem:s0+$0xBCB0];
	[tilespmem:s1+$0x186C0] =	vst v8;
	v10 =	vadd.f32 v10, v0  }
0xc7: {  	v8 =	vld [tilespmem:s0+$0xBCC0];
	[tilespmem:s1+$0x186D0] =	vst v9;
	v7 =	vadd.f32 v15, v7  }
0xc8: {  	v9 =	vld [tilespmem:s0+$0xBCD0];
	[tilespmem:s1+$0x186E0] =	vst v10;
	v6 =	vadd.f32 v13, v6  }
0xc9: {  	v10 =	vld [tilespmem:s0+$0xBCE0];
	v5 =	vadd.f32 v14, v5;
	[tilespmem:s0+$0x186F0] =	vst v7  }
0xca: {  	[tilespmem:s0+$0x18680] =	vst v6;
	v59 =	vadd.f32 v12, v4  }
0xcb: {  	s30 =	sadd.s32 $0x1, s30;
	[tilespmem:s0+$0x18690] =	vst v5;
	v60 =	vadd.f32 v11, v3  }
0xcc: {  	p0 =	sne.s32 s30, $0x10;
	[tilespmem:s0+$0x186A0] =	vst v59;
	v61 =	vadd.f32 v8, v2  }
.Ltmp4:
0xcd: {  	s17 =	sadd.s32 s4, s31;
	[tilespmem:s0+$0x186B0] =	vst v60;
	v62 =	vadd.f32 v9, v1;
	(pc) =	sbr.rel @p0 .LBB2_2-.Ltmp4, $4  }
0xce: {  	s1 =	smul.u32 $0xC80, s17;
	[tilespmem:s0+$0x186C0] =	vst v61;
	v63 =	vadd.f32 v10, v0  }
0xcf: {  	[tilespmem:s0+$0x186D0] =	vst v62  }
0xd0: {  	s31 =	sadd.s32 s2, s1;
	[tilespmem:s0+$0x186E0] =	vst v63  }
0xd1: {  	[hbm4b:s31+s3] =	stream.linear.scatter [tilespmem:s25], [sflag:$0x6], $0x6400, $0x38;
	[tilespmem:$0x1C880] =	vst v63  }
0xd2: {  	s29 =	sadd.s32 $0x1, s29  }
0xd3: {  	_ =	swait.ge [sflag:s26], $0x6400;
	p0 =	sne.s32 s29, s9  }
.Ltmp5:
0xd4: {  	[sflag:s26] =	ssyncset.done $0x0;
	(pc) =	sbr.rel @p0 .LBB2_1-.Ltmp5, $4  }
0xd5: {  	[sflag:s26] =	ssyncadd.s32 $0xFFFF9C00  }
0xd6: {  	_ =	swait.ge [sflag:s28], $0x6400  }
0xd7: {  	[sflag:s28] =	ssyncset.done $0x0  }
0xd8: {  	[sflag:s28] =	ssyncadd.s32 $0xFFFF9C00  }
0xd9: {  	_ =	sfence.sel $0x180000  }
0xda: {  	[bflag:$0x0] =	sbarrier.arrive $0xFFFF  }
0xdb: {  	_ =	strace $0x90000047  }
0xdc: {  	s0 =	stileid.u32;
	[bflag:$0x2] =	sbarrier.arrive $0xFFFF  }
0xdd: {  	p0 =	sne.s32 s0, $0x0;
	s0 =	rddreg [dreg:$0x3]  }
0xde: {  	s0 =	sadd.s32 @!p0 $0x100000, s0  }
0xdf: {  	[sflag:s0] =	ssyncadd.tile.s32 @!p0 $0x1;
	_ =	shalt  }
.Lfunc_end2:
_tile_overlayer_lowered:
.L_overlay_start_2:
0xe0: {  	(tag) =	ssettag $0x2  }
0xe1: {  	s0 =	rddreg [dreg:$0x0];
	s2 =	stileid.u32  }
0xe2: {  	s1 =	rddreg [dreg:$0x1];
	p0 =	sne.s32 s2, $0x0  }
0xe3: {  	s3 =	rddreg [dreg:$0x2];
	[bflag:$0x3] =	sbarrier.arrive $0xFFFF;
	s2 =	simm.s32 @!p0 $0x1C07  }
0xe4: {  	[timem:s3], [sflag:s2] =	dma.local @!p0 [hbm:s0], s1  }
0xe5: {  	s0 =	simm.s32 @!p0 $0x7  }
0xe6: {  	_ =	swait.ge @!p0 [sflag:s0], s1  }
0xe7: {  	s1 =	ssub.s32 @!p0 $0x0, s1;
	[sflag:s0] =	ssyncset.done @!p0 $0x0  }
0xe8: {  	[sflag:s0] =	ssyncadd.s32 @!p0 s1  }
0xe9: {  	[bflag:$0x3] =	sbarrier.arrive $0xFFFF  }
0xea: {  	_ =	shalt  }

</sc_bundles>
